<compile_context>
chip_gen: v7x
topology: tpu7x:2x2x1
jax: 0.10.2.dev20260603
libtpu: 0.0.44.dev20260713+nightly
codegen_flags: <defaults>
</compile_context>

<pallas_src>
import functools

import jax
import jax.numpy as jnp
from jax import lax
from jax.experimental import pallas as pl
from jax.experimental.pallas import tpu as pltpu
from jax.experimental.pallas import tpu_sc as plsc

N = 10000
E = 320000
D = 128
C = 16
EPS_ = 1e-15
C_EDGE_SIZE = 0.005
C_EDGE_ENT = 1.0
C_FEAT_SIZE = 1.0
C_FEAT_ENT = 0.1

NC = 2
NS = 16
NSUB = NC * NS
L = 16
PER = E // NSUB
K1 = NSUB * 16
K2 = 128
K2CAP = 112
AGG = K1 + K2
RPS = K1 // NS

_mesh = plsc.VectorSubcoreMesh(core_axis_name="c", subcore_axis_name="s")


@functools.partial(
    pl.kernel,
    out_type=[
        jax.ShapeDtypeStruct((K1,), jnp.int32),
        jax.ShapeDtypeStruct((K1,), jnp.float32),
    ],
    mesh=_mesh,
    scratch_types=[
        pltpu.VMEM((PER,), jnp.int32),
        pltpu.VMEM((PER,), jnp.int32),
        pltpu.VMEM((PER,), jnp.float32),
        pltpu.VMEM((32,), jnp.int32),
        pltpu.VMEM((32,), jnp.float32),
        pltpu.VMEM((16,), jnp.int32),
    ],
    compiler_params=pltpu.CompilerParams(needs_layout_passes=False),
)
def _sc_hop1(ei_hbm, em_hbm, nid_hbm,
             src1_out, em1_out,
             dst_v, src_v, em_v, s1_v, e1_v, nid_v):
    cid = lax.axis_index("c")
    sid = lax.axis_index("s")
    wid = sid * NC + cid
    base = wid * PER
    pltpu.sync_copy(ei_hbm.at[pl.ds(E + base, PER)], dst_v)
    pltpu.sync_copy(ei_hbm.at[pl.ds(base, PER)], src_v)
    pltpu.sync_copy(em_hbm.at[pl.ds(base, PER)], em_v)
    pltpu.sync_copy(nid_hbm, nid_v)
    nid = nid_v[...]
    neg1 = jnp.full((L,), -1, jnp.int32)
    s1_v[pl.ds(0, L)] = neg1
    s1_v[pl.ds(L, L)] = neg1
    zf = jnp.zeros((L,), jnp.float32)
    e1_v[pl.ds(0, L)] = zf
    e1_v[pl.ds(L, L)] = zf

    def body(k, off):
        d = dst_v[pl.ds(k * L, L)]
        m = d == nid
        cnt = jnp.sum(jnp.where(m, 1, 0))
        plsc.store_compressed(s1_v.at[pl.ds(off, L)], src_v[pl.ds(k * L, L)], mask=m)
        plsc.store_compressed(e1_v.at[pl.ds(off, L)], em_v[pl.ds(k * L, L)], mask=m)
        return jnp.minimum(off + cnt, 16)

    lax.fori_loop(0, PER // L, body, jnp.int32(0))
    pltpu.sync_copy(s1_v.at[pl.ds(0, L)], src1_out.at[pl.ds(wid * 16, 16)])
    pltpu.sync_copy(e1_v.at[pl.ds(0, L)], em1_out.at[pl.ds(wid * 16, 16)])


@functools.partial(
    pl.kernel,
    out_type=[
        jax.ShapeDtypeStruct((NC, K1, D), jnp.float32),
        jax.ShapeDtypeStruct((NC, K1, D), jnp.float32),
        jax.ShapeDtypeStruct((K1,), jnp.int32),
    ],
    mesh=_mesh,
    scratch_types=[
        pltpu.VMEM((PER,), jnp.int32),
        pltpu.VMEM((PER,), jnp.int32),
        pltpu.VMEM((PER,), jnp.float32),
        pltpu.VMEM((N,), jnp.int32),
        pltpu.VMEM((K1,), jnp.int32),
        pltpu.VMEM((K2,), jnp.int32),
        pltpu.VMEM((K2,), jnp.int32),
        pltpu.VMEM((K2,), jnp.float32),
        pltpu.VMEM((K2, D), jnp.float32),
        pltpu.VMEM((RPS, D), jnp.float32),
        pltpu.VMEM((K1,), jnp.int32),
        pltpu.VMEM((K2 // L, L), jnp.int32),
        pltpu.VMEM_SHARED((AGG, D), jnp.float32),
        pltpu.VMEM_SHARED((AGG, D), jnp.float32),
        pltpu.SemaphoreType.DMA,
    ],
    compiler_params=pltpu.CompilerParams(needs_layout_passes=False),
)
def _sc_hop2(ei_hbm, em_hbm, src1_hbm, x_hbm,
             aggB_out, aggM_out, r1_out,
             dst_v, src_v, em_v, slotmap, src1_v, s2_v, f2_v, w2_v,
             rows_v, zero_v, r1_v, s2c_v, aggB_sh, aggM_sh, sem):
    cid = lax.axis_index("c")
    sid = lax.axis_index("s")
    wid = sid * NC + cid
    base = wid * PER
    d1 = pltpu.async_copy(ei_hbm.at[pl.ds(E + base, PER)], dst_v, sem)
    d2 = pltpu.async_copy(ei_hbm.at[pl.ds(base, PER)], src_v, sem)
    d3 = pltpu.async_copy(em_hbm.at[pl.ds(base, PER)], em_v, sem)
    d4 = pltpu.async_copy(src1_hbm, src1_v, sem)
    zf = jnp.zeros((L,), jnp.float32)

    def zinit_body(r, _):
        for c in range(D // L):
            zero_v[r, pl.ds(c * L, L)] = zf
        return 0

    lax.fori_loop(0, RPS, zinit_body, 0)
    pltpu.sync_copy(zero_v, aggB_sh.at[pl.ds(sid * RPS, RPS)])
    pltpu.sync_copy(zero_v, aggM_sh.at[pl.ds(sid * RPS, RPS)])

    neg1 = jnp.full((L,), -1, jnp.int32)

    def init_body(k, _):
        slotmap[pl.ds(k * L, L)] = neg1
        return 0

    lax.fori_loop(0, N // L, init_body, 0)

    lanes = lax.iota(jnp.int32, L)

    def scat_body(i, _):
        win = i // L
        lane = i - win * L
        s1w = src1_v[pl.ds(win * L, L)]
        slots = lanes + win * L
        m = (lanes == lane) & (s1w >= 0)
        plsc.store_scatter(slotmap, [jnp.maximum(s1w, 0)], slots, mask=m)
        return 0

    d4.wait()
    with jax.named_scope("ph_slotmap"):
        lax.fori_loop(0, K1, scat_body, 0)

    for k in range(K2 // L):
        s2_v[pl.ds(k * L, L)] = lanes + (k * L)
        f2_v[pl.ds(k * L, L)] = lanes + (K1 + k * L)
        w2_v[pl.ds(k * L, L)] = zf

    with jax.named_scope("ph_dmawait"):
        d1.wait(); d2.wait(); d3.wait()

    def scan_body(k, off):
        d = dst_v[pl.ds(k * L, L)]
        f = plsc.load_gather(slotmap, [d])
        m = f >= 0
        cnt = jnp.sum(jnp.where(m, 1, 0))
        plsc.store_compressed(s2_v.at[pl.ds(off, L)], src_v[pl.ds(k * L, L)], mask=m)
        plsc.store_compressed(f2_v.at[pl.ds(off, L)], f, mask=m)
        plsc.store_compressed(w2_v.at[pl.ds(off, L)], em_v[pl.ds(k * L, L)], mask=m)
        return jnp.minimum(off + cnt, K2CAP)

    lax.fori_loop(0, PER // L, scan_body, jnp.int32(0))

    for k in range(K2 // L):
        t = w2_v[pl.ds(k * L, L)]
        w2_v[pl.ds(k * L, L)] = 1.0 / (1.0 + jnp.exp(-t))
        s2c_v[k, pl.ds(0, L)] = s2_v[pl.ds(k * L, L)]

    with jax.named_scope("ph_barrier"):
        plsc.subcore_barrier()

    with jax.named_scope("ph_gather"):
        gs = [pltpu.async_copy(x_hbm.at[s2c_v.at[k]],
                               rows_v.at[pl.ds(k * L, L)], sem)
              for k in range(K2 // L)]
        for g in gs:
            g.wait()

    with jax.named_scope("ph_scatB"):
        pltpu.sync_copy(rows_v, aggB_sh.at[f2_v], add=True)

    def scale_body(j, _):
        win = j // L
        lane = j - win * L
        wv = w2_v[pl.ds(win * L, L)]
        s = jnp.sum(jnp.where(lanes == lane, wv, 0.0))
        for c in range(D // L):
            rows_v[j, pl.ds(c * L, L)] = rows_v[j, pl.ds(c * L, L)] * s
        return 0

    with jax.named_scope("ph_scale"):
        lax.fori_loop(0, K2, scale_body, 0)
    with jax.named_scope("ph_scatM"):
        pltpu.sync_copy(rows_v, aggM_sh.at[f2_v], add=True)

    with jax.named_scope("ph_barrier2"):
        plsc.subcore_barrier()

    with jax.named_scope("ph_copyout"):
        pltpu.sync_copy(aggB_sh.at[pl.ds(sid * RPS, RPS)],
                        aggB_out.at[cid, pl.ds(sid * RPS, RPS)])
        pltpu.sync_copy(aggM_sh.at[pl.ds(sid * RPS, RPS)],
                        aggM_out.at[cid, pl.ds(sid * RPS, RPS)])

    @pl.when((sid == 0) & (cid == 0))
    def _():
        def r1_body(k, _):
            s1w = src1_v[pl.ds(k * L, L)]
            g = plsc.load_gather(slotmap, [jnp.maximum(s1w, 0)])
            r1_v[pl.ds(k * L, L)] = jnp.where(s1w >= 0, g, -1)
            return 0

        lax.fori_loop(0, K1 // L, r1_body, 0)
        pltpu.sync_copy(r1_v, r1_out)


def _tc_final_body(em_ref, nfm_ref, aggB_ref, aggM_ref, r1_ref, em1_ref,
                   W1_ref, W2_ref, out_ref):
    f32 = jnp.float32
    aggB = aggB_ref[0] + aggB_ref[1]
    aggM = aggM_ref[0] + aggM_ref[1]
    mf = jax.nn.sigmoid(nfm_ref[...])
    W1 = W1_ref[...]
    hB = jnp.maximum(jnp.dot(aggB, W1, preferred_element_type=f32), 0.0)
    hM = jnp.maximum(jnp.dot(aggM * mf, W1, preferred_element_type=f32), 0.0)

    r1 = r1_ref[...]
    kk = lax.broadcasted_iota(jnp.int32, (K1, K1), 1)
    onehot = (r1 == kk).astype(f32)
    ew1 = jax.nn.sigmoid(em1_ref[...])
    ones_row = jnp.ones((1, K1), f32)
    bB = jnp.dot(ones_row, onehot, preferred_element_type=f32)
    bM = jnp.dot(ones_row, onehot * ew1, preferred_element_type=f32)

    W2 = W2_ref[...]
    logitsB = jnp.dot(jnp.dot(bB, hB, preferred_element_type=f32), W2,
                      preferred_element_type=f32)
    logitsM = jnp.dot(jnp.dot(bM, hM, preferred_element_type=f32), W2,
                      preferred_element_type=f32)

    pred = jnp.argmax(logitsB, axis=1)
    mx = jnp.max(logitsM, axis=1, keepdims=True)
    lse = jnp.log(jnp.sum(jnp.exp(logitsM - mx), axis=1, keepdims=True)) + mx
    lsmM = logitsM - lse
    ci = lax.broadcasted_iota(jnp.int32, (1, C), 1)
    loss = -jnp.sum(jnp.where(ci == pred[:, None], lsmM, 0.0))

    m = jax.nn.sigmoid(em_ref[...])
    ent = -m * jnp.log(m + EPS_) - (1.0 - m) * jnp.log(1.0 - m + EPS_)
    loss = loss + C_EDGE_SIZE * jnp.sum(m) + C_EDGE_ENT * (jnp.sum(ent) / E)
    entf = -mf * jnp.log(mf + EPS_) - (1.0 - mf) * jnp.log(1.0 - mf + EPS_)
    loss = loss + C_FEAT_SIZE * jnp.sum(mf) + C_FEAT_ENT * (jnp.sum(entf) / D)
    out_ref[...] = jnp.reshape(loss, (1, 1))


_tc_final = pl.pallas_call(
    _tc_final_body,
    out_shape=jax.ShapeDtypeStruct((1, 1), jnp.float32),
)


def kernel(x, edge_index, node_idx, node_feat_mask, edge_mask, W1, W2):
    nid = jnp.full((16,), node_idx, jnp.int32)
    ei_flat = edge_index.reshape(2 * E)
    src1, em1 = _sc_hop1(ei_flat, edge_mask, nid)
    aggB, aggM, r1 = _sc_hop2(ei_flat, edge_mask, src1, x)
    out = _tc_final(edge_mask.reshape(E // D, D),
                    node_feat_mask.reshape(1, D),
                    aggB, aggM,
                    r1.reshape(K1, 1), em1.reshape(K1, 1),
                    W1, W2)
    return out[0, 0]

# --- scband reference (transcript-rebuilt; emitter-appended) ---
"""Pipeline reference for scband-gnnexplainer-34222299415019 (READ-ONLY COPY).

The authoritative reference and input builder live on the scoring server;
editing this copy changes nothing except your own understanding.
"""

import jax, jax.numpy as jnp
import numpy as np
from math import sqrt

N = 10000
E = 320000
D = 128
H = 128
C = 16
EPS = 1e-15
COEFFS = {'edge_size': 0.005, 'node_feat_size': 1.0, 'edge_ent': 1.0, 'node_feat_ent': 0.1}


def setup_inputs(seed: int = 0):
    key = jax.random.key(seed)
    ks = jax.random.split(key, 6)
    x = jax.random.normal(ks[0], (N, D), dtype=jnp.float32)
    edge_index = jax.random.randint(ks[1], (2, E), 0, N, dtype=jnp.int32)
    # masks as created in GNNExplainer.__set_masks__
    node_feat_mask = jax.random.normal(ks[2], (D,), dtype=jnp.float32) * 0.1
    std = sqrt(2.0) * sqrt(2.0 / (2 * N))  # relu gain * sqrt(2/(2N))
    edge_mask = jax.random.normal(ks[3], (E,), dtype=jnp.float32) * std
    # parameters of the 2-layer GCN model being explained
    W1 = jax.random.normal(ks[4], (D, H), dtype=jnp.float32) * 0.05
    W2 = jax.random.normal(ks[5], (H, C), dtype=jnp.float32) * 0.05
    node_idx = 0
    return {'x': x, 'edge_index': edge_index, 'node_idx': node_idx,
            'node_feat_mask': node_feat_mask, 'edge_mask': edge_mask,
            'W1': W1, 'W2': W2}


def _gcn(h, edge_index, edge_weight, W1, W2):
    # message-passing GNN with per-edge mask weights (the __explain__ path of
    # MessagePassing: messages are multiplied by sigmoid(edge_mask))
    src = edge_index[0]
    dst = edge_index[1]
    msg = jnp.take(h, src, axis=0) * edge_weight[:, None]
    agg = jax.ops.segment_sum(msg, dst, num_segments=N)
    h1 = jax.nn.relu(agg @ W1)
    msg2 = jnp.take(h1, src, axis=0) * edge_weight[:, None]
    agg2 = jax.ops.segment_sum(msg2, dst, num_segments=N)
    logits = agg2 @ W2
    return jax.nn.log_softmax(logits, axis=-1)


def reference(x, edge_index, node_idx, node_feat_mask, edge_mask, W1, W2):
    # 1) unmasked prediction -> pred_label (done under no_grad in torch)
    base_log_logits = _gcn(x, edge_index, jnp.ones((E,), x.dtype), W1, W2)
    pred_label = jnp.argmax(base_log_logits[node_idx])
    # 2) masked forward pass (one inner optimization step of explain_node)
    h = x * jax.nn.sigmoid(node_feat_mask)[None, :]
    ew = jax.nn.sigmoid(edge_mask)
    log_logits = _gcn(h, edge_index, ew, W1, W2)
    # 3) __loss__
    loss = -log_logits[node_idx, pred_label]
    m = ew
    loss = loss + COEFFS['edge_size'] * m.sum()
    ent = -m * jnp.log(m + EPS) - (1 - m) * jnp.log(1 - m + EPS)
    loss = loss + COEFFS['edge_ent'] * ent.mean()
    mf = jax.nn.sigmoid(node_feat_mask)
    loss = loss + COEFFS['node_feat_size'] * mf.sum()
    entf = -mf * jnp.log(mf + EPS) - (1 - mf) * jnp.log(1 - mf + EPS)
    loss = loss + COEFFS['node_feat_ent'] * entf.mean()
    return loss

if __name__ == "__main__":
    import jax
    _d = setup_inputs()
    print(jax.jit(kernel)(*tuple(_d.values())))

</pallas_src>

<mosaic_0001>
#map = affine_map<(d0, d1) -> (0)>
module attributes {stable_mosaic.version = 14 : i64} {
  func.func @_sc_hop1(%arg0: i32, %arg1: i32, %arg2: memref<640000xi32, #tpu.memory_space<hbm>>, %arg3: memref<320000xf32, #tpu.memory_space<hbm>>, %arg4: memref<16xi32, #tpu.memory_space<hbm>>, %arg5: memref<512xi32, #tpu.memory_space<hbm>>, %arg6: memref<512xf32, #tpu.memory_space<hbm>>, %arg7: memref<10000xi32, #tpu.memory_space<vmem>>, %arg8: memref<10000xi32, #tpu.memory_space<vmem>>, %arg9: memref<10000xf32, #tpu.memory_space<vmem>>, %arg10: memref<32xi32, #tpu.memory_space<vmem>>, %arg11: memref<32xf32, #tpu.memory_space<vmem>>, %arg12: memref<16xi32, #tpu.memory_space<vmem>>) attributes {dimension_semantics = [#tpu.dimension_semantics<core_parallel>, #tpu.dimension_semantics<subcore_parallel>], iteration_bounds = array<i64: 2, 16>, scalar_prefetch = 0 : i64, scratch_operands = 6 : i64, tpu.core_type = #tpu.core_type<sc_vector_subcore>, window_params = [{transform_indices = #map}, {transform_indices = #map}, {transform_indices = #map}, {transform_indices = #map}, {transform_indices = #map}]} {
    %mul3A = arith.constant 2 : i32
    %mul3A_0 = arith.muli %arg1, %mul3A : i32
    %add3A = arith.addi %mul3A_0, %arg0 : i32
    %mul3A_1 = arith.constant 10000 : i32
    %mul3A_2 = arith.muli %add3A, %mul3A_1 : i32
    %add3A_3 = arith.constant 320000 : i32
    %add3A_4 = arith.addi %add3A_3, %mul3A_2 : i32
    "tpu.region"() ({
      %run_scoped3A = tpu.sem_alloc : memref<!tpu.dma_semaphore, #tpu.memory_space<semaphore_mem>>
      %dma_start3A = tpu.memref_slice %arg2[%add3A_4] : memref<640000xi32, #tpu.memory_space<hbm>> -> memref<10000xi32, #tpu.memory_space<hbm>>
      %dma_start3A_26 = tpu.memref_slice %arg2[%add3A_4] : memref<640000xi32, #tpu.memory_space<hbm>> -> memref<10000xi32, #tpu.memory_space<hbm>>
      tpu.enqueue_dma source(%dma_start3A_26 : memref<10000xi32, #tpu.memory_space<hbm>>) target(%arg7 : memref<10000xi32, #tpu.memory_space<vmem>>) target_semaphore(%run_scoped3A : memref<!tpu.dma_semaphore, #tpu.memory_space<semaphore_mem>>)
      %dma_wait3A = tpu.memref_slice %arg2[%add3A_4] : memref<640000xi32, #tpu.memory_space<hbm>> -> memref<10000xi32, #tpu.memory_space<hbm>>
      %dma_wait3A_27 = tpu.memref_slice %arg2[%add3A_4] : memref<640000xi32, #tpu.memory_space<hbm>> -> memref<10000xi32, #tpu.memory_space<hbm>>
      tpu.wait_dma2 semaphore(%run_scoped3A : memref<!tpu.dma_semaphore, #tpu.memory_space<semaphore_mem>>) src(%dma_wait3A_27 : memref<10000xi32, #tpu.memory_space<hbm>>) dst(%arg7 : memref<10000xi32, #tpu.memory_space<vmem>>)
      tpu.yield
    }) : () -> ()
    "tpu.region"() ({
      %run_scoped3A = tpu.sem_alloc : memref<!tpu.dma_semaphore, #tpu.memory_space<semaphore_mem>>
      %dma_start3A = tpu.memref_slice %arg2[%mul3A_2] : memref<640000xi32, #tpu.memory_space<hbm>> -> memref<10000xi32, #tpu.memory_space<hbm>>
      %dma_start3A_26 = tpu.memref_slice %arg2[%mul3A_2] : memref<640000xi32, #tpu.memory_space<hbm>> -> memref<10000xi32, #tpu.memory_space<hbm>>
      tpu.enqueue_dma source(%dma_start3A_26 : memref<10000xi32, #tpu.memory_space<hbm>>) target(%arg8 : memref<10000xi32, #tpu.memory_space<vmem>>) target_semaphore(%run_scoped3A : memref<!tpu.dma_semaphore, #tpu.memory_space<semaphore_mem>>)
      %dma_wait3A = tpu.memref_slice %arg2[%mul3A_2] : memref<640000xi32, #tpu.memory_space<hbm>> -> memref<10000xi32, #tpu.memory_space<hbm>>
      %dma_wait3A_27 = tpu.memref_slice %arg2[%mul3A_2] : memref<640000xi32, #tpu.memory_space<hbm>> -> memref<10000xi32, #tpu.memory_space<hbm>>
      tpu.wait_dma2 semaphore(%run_scoped3A : memref<!tpu.dma_semaphore, #tpu.memory_space<semaphore_mem>>) src(%dma_wait3A_27 : memref<10000xi32, #tpu.memory_space<hbm>>) dst(%arg8 : memref<10000xi32, #tpu.memory_space<vmem>>)
      tpu.yield
    }) : () -> ()
    "tpu.region"() ({
      %run_scoped3A = tpu.sem_alloc : memref<!tpu.dma_semaphore, #tpu.memory_space<semaphore_mem>>
      %dma_start3A = tpu.memref_slice %arg3[%mul3A_2] : memref<320000xf32, #tpu.memory_space<hbm>> -> memref<10000xf32, #tpu.memory_space<hbm>>
      %dma_start3A_26 = tpu.memref_slice %arg3[%mul3A_2] : memref<320000xf32, #tpu.memory_space<hbm>> -> memref<10000xf32, #tpu.memory_space<hbm>>
      tpu.enqueue_dma source(%dma_start3A_26 : memref<10000xf32, #tpu.memory_space<hbm>>) target(%arg9 : memref<10000xf32, #tpu.memory_space<vmem>>) target_semaphore(%run_scoped3A : memref<!tpu.dma_semaphore, #tpu.memory_space<semaphore_mem>>)
      %dma_wait3A = tpu.memref_slice %arg3[%mul3A_2] : memref<320000xf32, #tpu.memory_space<hbm>> -> memref<10000xf32, #tpu.memory_space<hbm>>
      %dma_wait3A_27 = tpu.memref_slice %arg3[%mul3A_2] : memref<320000xf32, #tpu.memory_space<hbm>> -> memref<10000xf32, #tpu.memory_space<hbm>>
      tpu.wait_dma2 semaphore(%run_scoped3A : memref<!tpu.dma_semaphore, #tpu.memory_space<semaphore_mem>>) src(%dma_wait3A_27 : memref<10000xf32, #tpu.memory_space<hbm>>) dst(%arg9 : memref<10000xf32, #tpu.memory_space<vmem>>)
      tpu.yield
    }) : () -> ()
    "tpu.region"() ({
      %run_scoped3A = tpu.sem_alloc : memref<!tpu.dma_semaphore, #tpu.memory_space<semaphore_mem>>
      tpu.enqueue_dma source(%arg4 : memref<16xi32, #tpu.memory_space<hbm>>) target(%arg12 : memref<16xi32, #tpu.memory_space<vmem>>) target_semaphore(%run_scoped3A : memref<!tpu.dma_semaphore, #tpu.memory_space<semaphore_mem>>)
      tpu.wait_dma2 semaphore(%run_scoped3A : memref<!tpu.dma_semaphore, #tpu.memory_space<semaphore_mem>>) src(%arg4 : memref<16xi32, #tpu.memory_space<hbm>>) dst(%arg12 : memref<16xi32, #tpu.memory_space<vmem>>)
      tpu.yield
    }) : () -> ()
    %get3A = arith.constant 0 : index
    %get3A_5 = tpu.vector_load %arg12[%get3A] {strides = array<i32>} : memref<16xi32, #tpu.memory_space<vmem>>, vector<16xi32>,
    %broadcast_in_dim3A = arith.constant -1 : i32
    %broadcast_in_dim3A_6 = vector.broadcast %broadcast_in_dim3A : i32 to vector<16xi32>
    %swap3A = arith.constant 0 : index
    %swap3A_7 = tpu.vector_load %arg10[%swap3A] {strides = array<i32>} : memref<32xi32, #tpu.memory_space<vmem>>, vector<16xi32>,
    tpu.vector_store %arg10[%swap3A], %broadcast_in_dim3A_6 {strides = array<i32>} : memref<32xi32, #tpu.memory_space<vmem>>, vector<16xi32>,
    %swap3A_8 = arith.constant 16 : index
    %swap3A_9 = tpu.vector_load %arg10[%swap3A_8] {strides = array<i32>} : memref<32xi32, #tpu.memory_space<vmem>>, vector<16xi32>,
    tpu.vector_store %arg10[%swap3A_8], %broadcast_in_dim3A_6 {strides = array<i32>} : memref<32xi32, #tpu.memory_space<vmem>>, vector<16xi32>,
    %broadcast_in_dim3A_10 = arith.constant 0.000000e+00 : f32
    %broadcast_in_dim3A_11 = vector.broadcast %broadcast_in_dim3A_10 : f32 to vector<16xf32>
    %swap3A_12 = arith.constant 0 : index
    %swap3A_13 = tpu.vector_load %arg11[%swap3A_12] {strides = array<i32>} : memref<32xf32, #tpu.memory_space<vmem>>, vector<16xf32>,
    tpu.vector_store %arg11[%swap3A_12], %broadcast_in_dim3A_11 {strides = array<i32>} : memref<32xf32, #tpu.memory_space<vmem>>, vector<16xf32>,
    %swap3A_14 = arith.constant 16 : index
    %swap3A_15 = tpu.vector_load %arg11[%swap3A_14] {strides = array<i32>} : memref<32xf32, #tpu.memory_space<vmem>>, vector<16xf32>,
    tpu.vector_store %arg11[%swap3A_14], %broadcast_in_dim3A_11 {strides = array<i32>} : memref<32xf32, #tpu.memory_space<vmem>>, vector<16xf32>,
    %scan3A = arith.constant 0 : i32
    %scan3A_16 = arith.constant 0 : i32
    %scan3A_17 = arith.constant 625 : i32
    %scan3A_18 = arith.addi %scan3A_16, %scan3A_17 : i32
    %scan3A_19 = arith.constant 1 : i32
    %scan3A_20 = scf.for %scan3A_26 = %scan3A_16 to %scan3A_18 step %scan3A_19 iter_args(%scan3A_27 = %scan3A) -> (i32)  : i32 {
      %mul3A_28 = arith.constant 16 : i32
      %mul3A_29 = arith.muli %scan3A_26, %mul3A_28 : i32
      %get3A_30 = arith.index_cast %mul3A_29 : i32 to index
      %get3A_31 = tpu.vector_load %arg7[%get3A_30] {strides = array<i32>} : memref<10000xi32, #tpu.memory_space<vmem>>, vector<16xi32>,
      %eq3A = arith.cmpi eq, %get3A_31, %get3A_5 : vector<16xi32>
      %jit3A = arith.constant 1 : i32
      %jit3A_32 = arith.constant 0 : i32
      %broadcast_in_dim3A_33 = vector.broadcast %jit3A : i32 to vector<16xi32>
      %broadcast_in_dim3A_34 = vector.broadcast %jit3A_32 : i32 to vector<16xi32>
      %select_n3A = arith.select %eq3A, %broadcast_in_dim3A_33, %broadcast_in_dim3A_34 : vector<16xi1>, vector<16xi32>
      %reduce_sum3A = arith.constant true
      %reduce_sum3A_35 = vector.broadcast %reduce_sum3A : i1 to vector<16xi1>
      %reduce_sum3A_36 = tpu.scan <sum>, %select_n3A masked %reduce_sum3A_35 : vector<16xi32>, vector<16xi1> -> vector<16xi32>
      %reduce_sum3A_37 = vector.extract %reduce_sum3A_36[15] : i32 from vector<16xi32>
      %mul3A_38 = arith.constant 16 : i32
      %mul3A_39 = arith.muli %scan3A_26, %mul3A_38 : i32
      %get3A_40 = arith.index_cast %mul3A_39 : i32 to index
      %get3A_41 = tpu.vector_load %arg8[%get3A_40] {strides = array<i32>} : memref<10000xi32, #tpu.memory_space<vmem>>, vector<16xi32>,
      %swap3A_42 = arith.index_cast %scan3A_27 : i32 to index
      %swap3A_43 = tpu.vector_load %arg10[%swap3A_42] masked %eq3A {strides = array<i32>} : memref<32xi32, #tpu.memory_space<vmem>>, vector<16xi32>, vector<16xi1>
      tpu.vector_store %arg10[%swap3A_42], %get3A_41 masked %eq3A {strides = array<i32>} : memref<32xi32, #tpu.memory_space<vmem>>, vector<16xi32>, vector<16xi1>
      %mul3A_44 = arith.constant 16 : i32
      %mul3A_45 = arith.muli %scan3A_26, %mul3A_44 : i32
      %get3A_46 = arith.index_cast %mul3A_45 : i32 to index
      %get3A_47 = tpu.vector_load %arg9[%get3A_46] {strides = array<i32>} : memref<10000xf32, #tpu.memory_space<vmem>>, vector<16xf32>,
      %swap3A_48 = arith.index_cast %scan3A_27 : i32 to index
      %swap3A_49 = tpu.vector_load %arg11[%swap3A_48] masked %eq3A {strides = array<i32>} : memref<32xf32, #tpu.memory_space<vmem>>, vector<16xf32>, vector<16xi1>
      tpu.vector_store %arg11[%swap3A_48], %get3A_47 masked %eq3A {strides = array<i32>} : memref<32xf32, #tpu.memory_space<vmem>>, vector<16xf32>, vector<16xi1>
      %add3A_50 = arith.addi %scan3A_27, %reduce_sum3A_37 : i32
      %min3A = arith.constant 16 : i32
      %min3A_51 = arith.minsi %add3A_50, %min3A : i32
      scf.yield %min3A_51 : i32
    }
    %scan3A_21 = arith.constant 625 : i32
    %mul3A_22 = arith.constant 16 : i32
    %mul3A_23 = arith.muli %add3A, %mul3A_22 : i32
    "tpu.region"() ({
      %run_scoped3A = tpu.sem_alloc : memref<!tpu.dma_semaphore, #tpu.memory_space<semaphore_mem>>
      %dma_start3A = arith.constant 0 : i32
      %dma_start3A_26 = tpu.memref_slice %arg10[%dma_start3A] : memref<32xi32, #tpu.memory_space<vmem>> -> memref<16xi32, #tpu.memory_space<vmem>>
      %dma_start3A_27 = tpu.memref_slice %arg5[%mul3A_23] : memref<512xi32, #tpu.memory_space<hbm>> -> memref<16xi32, #tpu.memory_space<hbm>>
      %dma_start3A_28 = tpu.memref_slice %arg5[%mul3A_23] : memref<512xi32, #tpu.memory_space<hbm>> -> memref<16xi32, #tpu.memory_space<hbm>>
      %dma_start3A_29 = arith.constant 0 : i32
      %dma_start3A_30 = tpu.memref_slice %arg10[%dma_start3A_29] : memref<32xi32, #tpu.memory_space<vmem>> -> memref<16xi32, #tpu.memory_space<vmem>>
      tpu.enqueue_dma source(%dma_start3A_30 : memref<16xi32, #tpu.memory_space<vmem>>) target(%dma_start3A_28 : memref<16xi32, #tpu.memory_space<hbm>>) target_semaphore(%run_scoped3A : memref<!tpu.dma_semaphore, #tpu.memory_space<semaphore_mem>>)
      %dma_wait3A = arith.constant 0 : i32
      %dma_wait3A_31 = tpu.memref_slice %arg10[%dma_wait3A] : memref<32xi32, #tpu.memory_space<vmem>> -> memref<16xi32, #tpu.memory_space<vmem>>
      %dma_wait3A_32 = tpu.memref_slice %arg5[%mul3A_23] : memref<512xi32, #tpu.memory_space<hbm>> -> memref<16xi32, #tpu.memory_space<hbm>>
      %dma_wait3A_33 = tpu.memref_slice %arg5[%mul3A_23] : memref<512xi32, #tpu.memory_space<hbm>> -> memref<16xi32, #tpu.memory_space<hbm>>
      %dma_wait3A_34 = arith.constant 0 : i32
      %dma_wait3A_35 = tpu.memref_slice %arg10[%dma_wait3A_34] : memref<32xi32, #tpu.memory_space<vmem>> -> memref<16xi32, #tpu.memory_space<vmem>>
      tpu.wait_dma2 semaphore(%run_scoped3A : memref<!tpu.dma_semaphore, #tpu.memory_space<semaphore_mem>>) src(%dma_wait3A_35 : memref<16xi32, #tpu.memory_space<vmem>>) dst(%dma_wait3A_33 : memref<16xi32, #tpu.memory_space<hbm>>)
      tpu.yield
    }) : () -> ()
    %mul3A_24 = arith.constant 16 : i32
    %mul3A_25 = arith.muli %add3A, %mul3A_24 : i32
    "tpu.region"() ({
      %run_scoped3A = tpu.sem_alloc : memref<!tpu.dma_semaphore, #tpu.memory_space<semaphore_mem>>
      %dma_start3A = arith.constant 0 : i32
      %dma_start3A_26 = tpu.memref_slice %arg11[%dma_start3A] : memref<32xf32, #tpu.memory_space<vmem>> -> memref<16xf32, #tpu.memory_space<vmem>>
      %dma_start3A_27 = tpu.memref_slice %arg6[%mul3A_25] : memref<512xf32, #tpu.memory_space<hbm>> -> memref<16xf32, #tpu.memory_space<hbm>>
      %dma_start3A_28 = tpu.memref_slice %arg6[%mul3A_25] : memref<512xf32, #tpu.memory_space<hbm>> -> memref<16xf32, #tpu.memory_space<hbm>>
      %dma_start3A_29 = arith.constant 0 : i32
      %dma_start3A_30 = tpu.memref_slice %arg11[%dma_start3A_29] : memref<32xf32, #tpu.memory_space<vmem>> -> memref<16xf32, #tpu.memory_space<vmem>>
      tpu.enqueue_dma source(%dma_start3A_30 : memref<16xf32, #tpu.memory_space<vmem>>) target(%dma_start3A_28 : memref<16xf32, #tpu.memory_space<hbm>>) target_semaphore(%run_scoped3A : memref<!tpu.dma_semaphore, #tpu.memory_space<semaphore_mem>>)
      %dma_wait3A = arith.constant 0 : i32
      %dma_wait3A_31 = tpu.memref_slice %arg11[%dma_wait3A] : memref<32xf32, #tpu.memory_space<vmem>> -> memref<16xf32, #tpu.memory_space<vmem>>
      %dma_wait3A_32 = tpu.memref_slice %arg6[%mul3A_25] : memref<512xf32, #tpu.memory_space<hbm>> -> memref<16xf32, #tpu.memory_space<hbm>>
      %dma_wait3A_33 = tpu.memref_slice %arg6[%mul3A_25] : memref<512xf32, #tpu.memory_space<hbm>> -> memref<16xf32, #tpu.memory_space<hbm>>
      %dma_wait3A_34 = arith.constant 0 : i32
      %dma_wait3A_35 = tpu.memref_slice %arg11[%dma_wait3A_34] : memref<32xf32, #tpu.memory_space<vmem>> -> memref<16xf32, #tpu.memory_space<vmem>>
      tpu.wait_dma2 semaphore(%run_scoped3A : memref<!tpu.dma_semaphore, #tpu.memory_space<semaphore_mem>>) src(%dma_wait3A_35 : memref<16xf32, #tpu.memory_space<vmem>>) dst(%dma_wait3A_33 : memref<16xf32, #tpu.memory_space<hbm>>)
      tpu.yield
    }) : () -> ()
    return
  }
}

#map = affine_map<(d0, d1) -> (0)>
#map1 = affine_map<(d0, d1) -> (0, 0)>
#map2 = affine_map<(d0, d1) -> (0, 0, 0)>
module attributes {stable_mosaic.version = 14 : i64} {
  func.func @_sc_hop2(%arg0: i32, %arg1: i32, %arg2: memref<640000xi32, #tpu.memory_space<hbm>>, %arg3: memref<320000xf32, #tpu.memory_space<hbm>>, %arg4: memref<512xi32, #tpu.memory_space<hbm>>, %arg5: memref<10000x128xf32, #tpu.memory_space<hbm>>, %arg6: memref<2x512x128xf32, #tpu.memory_space<hbm>>, %arg7: memref<2x512x128xf32, #tpu.memory_space<hbm>>, %arg8: memref<512xi32, #tpu.memory_space<hbm>>, %arg9: memref<10000xi32, #tpu.memory_space<vmem>>, %arg10: memref<10000xi32, #tpu.memory_space<vmem>>, %arg11: memref<10000xf32, #tpu.memory_space<vmem>>, %arg12: memref<10000xi32, #tpu.memory_space<vmem>>, %arg13: memref<512xi32, #tpu.memory_space<vmem>>, %arg14: memref<128xi32, #tpu.memory_space<vmem>>, %arg15: memref<128xi32, #tpu.memory_space<vmem>>, %arg16: memref<128xf32, #tpu.memory_space<vmem>>, %arg17: memref<128x128xf32, #tpu.memory_space<vmem>>, %arg18: memref<32x128xf32, #tpu.memory_space<vmem>>, %arg19: memref<512xi32, #tpu.memory_space<vmem>>, %arg20: memref<8x16xi32, #tpu.memory_space<vmem>>, %arg21: memref<640x128xf32, #tpu.memory_space<vmem_shared>>, %arg22: memref<640x128xf32, #tpu.memory_space<vmem_shared>>, %arg23: memref<!tpu.dma_semaphore, #tpu.memory_space<semaphore_mem>>) attributes {dimension_semantics = [#tpu.dimension_semantics<core_parallel>, #tpu.dimension_semantics<subcore_parallel>], iteration_bounds = array<i64: 2, 16>, scalar_prefetch = 0 : i64, scratch_operands = 15 : i64, tpu.core_type = #tpu.core_type<sc_vector_subcore>, window_params = [{transform_indices = #map}, {transform_indices = #map}, {transform_indices = #map}, {transform_indices = #map1}, {transform_indices = #map2}, {transform_indices = #map2}, {transform_indices = #map}]} {
    %mul3A = arith.constant 2 : i32
    %mul3A_0 = arith.muli %arg1, %mul3A : i32
    %add3A = arith.addi %mul3A_0, %arg0 : i32
    %mul3A_1 = arith.constant 10000 : i32
    %mul3A_2 = arith.muli %add3A, %mul3A_1 : i32
    %add3A_3 = arith.constant 320000 : i32
    %add3A_4 = arith.addi %add3A_3, %mul3A_2 : i32
    %dma_start3A = tpu.memref_slice %arg2[%add3A_4] : memref<640000xi32, #tpu.memory_space<hbm>> -> memref<10000xi32, #tpu.memory_space<hbm>>
    %dma_start3A_5 = tpu.memref_slice %arg2[%add3A_4] : memref<640000xi32, #tpu.memory_space<hbm>> -> memref<10000xi32, #tpu.memory_space<hbm>>
    tpu.enqueue_dma source(%dma_start3A_5 : memref<10000xi32, #tpu.memory_space<hbm>>) target(%arg9 : memref<10000xi32, #tpu.memory_space<vmem>>) target_semaphore(%arg23 : memref<!tpu.dma_semaphore, #tpu.memory_space<semaphore_mem>>)
    %dma_start3A_6 = tpu.memref_slice %arg2[%mul3A_2] : memref<640000xi32, #tpu.memory_space<hbm>> -> memref<10000xi32, #tpu.memory_space<hbm>>
    %dma_start3A_7 = tpu.memref_slice %arg2[%mul3A_2] : memref<640000xi32, #tpu.memory_space<hbm>> -> memref<10000xi32, #tpu.memory_space<hbm>>
    tpu.enqueue_dma source(%dma_start3A_7 : memref<10000xi32, #tpu.memory_space<hbm>>) target(%arg10 : memref<10000xi32, #tpu.memory_space<vmem>>) target_semaphore(%arg23 : memref<!tpu.dma_semaphore, #tpu.memory_space<semaphore_mem>>)
    %dma_start3A_8 = tpu.memref_slice %arg3[%mul3A_2] : memref<320000xf32, #tpu.memory_space<hbm>> -> memref<10000xf32, #tpu.memory_space<hbm>>
    %dma_start3A_9 = tpu.memref_slice %arg3[%mul3A_2] : memref<320000xf32, #tpu.memory_space<hbm>> -> memref<10000xf32, #tpu.memory_space<hbm>>
    tpu.enqueue_dma source(%dma_start3A_9 : memref<10000xf32, #tpu.memory_space<hbm>>) target(%arg11 : memref<10000xf32, #tpu.memory_space<vmem>>) target_semaphore(%arg23 : memref<!tpu.dma_semaphore, #tpu.memory_space<semaphore_mem>>)
    tpu.enqueue_dma source(%arg4 : memref<512xi32, #tpu.memory_space<hbm>>) target(%arg13 : memref<512xi32, #tpu.memory_space<vmem>>) target_semaphore(%arg23 : memref<!tpu.dma_semaphore, #tpu.memory_space<semaphore_mem>>)
    %broadcast_in_dim3A = arith.constant 0.000000e+00 : f32
    %broadcast_in_dim3A_10 = vector.broadcast %broadcast_in_dim3A : f32 to vector<16xf32>
    %scan3A = arith.constant 0 : i32
    %scan3A_11 = arith.constant 0 : i32
    %scan3A_12 = arith.constant 32 : i32
    %scan3A_13 = arith.addi %scan3A_11, %scan3A_12 : i32
    %scan3A_14 = arith.constant 1 : i32
    %scan3A_15 = scf.for %scan3A_480 = %scan3A_11 to %scan3A_13 step %scan3A_14 iter_args(%scan3A_481 = %scan3A) -> (i32)  : i32 {
      %swap3A_482 = arith.index_cast %scan3A_480 : i32 to index
      %swap3A_483 = arith.constant 0 : index
      %swap3A_484 = tpu.vector_load %arg18[%swap3A_482, %swap3A_483] {strides = array<i32>} : memref<32x128xf32, #tpu.memory_space<vmem>>, vector<16xf32>,
      tpu.vector_store %arg18[%swap3A_482, %swap3A_483], %broadcast_in_dim3A_10 {strides = array<i32>} : memref<32x128xf32, #tpu.memory_space<vmem>>, vector<16xf32>,
      %swap3A_485 = arith.index_cast %scan3A_480 : i32 to index
      %swap3A_486 = arith.constant 16 : index
      %swap3A_487 = tpu.vector_load %arg18[%swap3A_485, %swap3A_486] {strides = array<i32>} : memref<32x128xf32, #tpu.memory_space<vmem>>, vector<16xf32>,
      tpu.vector_store %arg18[%swap3A_485, %swap3A_486], %broadcast_in_dim3A_10 {strides = array<i32>} : memref<32x128xf32, #tpu.memory_space<vmem>>, vector<16xf32>,
      %swap3A_488 = arith.index_cast %scan3A_480 : i32 to index
      %swap3A_489 = arith.constant 32 : index
      %swap3A_490 = tpu.vector_load %arg18[%swap3A_488, %swap3A_489] {strides = array<i32>} : memref<32x128xf32, #tpu.memory_space<vmem>>, vector<16xf32>,
      tpu.vector_store %arg18[%swap3A_488, %swap3A_489], %broadcast_in_dim3A_10 {strides = array<i32>} : memref<32x128xf32, #tpu.memory_space<vmem>>, vector<16xf32>,
      %swap3A_491 = arith.index_cast %scan3A_480 : i32 to index
      %swap3A_492 = arith.constant 48 : index
      %swap3A_493 = tpu.vector_load %arg18[%swap3A_491, %swap3A_492] {strides = array<i32>} : memref<32x128xf32, #tpu.memory_space<vmem>>, vector<16xf32>,
      tpu.vector_store %arg18[%swap3A_491, %swap3A_492], %broadcast_in_dim3A_10 {strides = array<i32>} : memref<32x128xf32, #tpu.memory_space<vmem>>, vector<16xf32>,
      %swap3A_494 = arith.index_cast %scan3A_480 : i32 to index
      %swap3A_495 = arith.constant 64 : index
      %swap3A_496 = tpu.vector_load %arg18[%swap3A_494, %swap3A_495] {strides = array<i32>} : memref<32x128xf32, #tpu.memory_space<vmem>>, vector<16xf32>,
      tpu.vector_store %arg18[%swap3A_494, %swap3A_495], %broadcast_in_dim3A_10 {strides = array<i32>} : memref<32x128xf32, #tpu.memory_space<vmem>>, vector<16xf32>,
      %swap3A_497 = arith.index_cast %scan3A_480 : i32 to index
      %swap3A_498 = arith.constant 80 : index
      %swap3A_499 = tpu.vector_load %arg18[%swap3A_497, %swap3A_498] {strides = array<i32>} : memref<32x128xf32, #tpu.memory_space<vmem>>, vector<16xf32>,
      tpu.vector_store %arg18[%swap3A_497, %swap3A_498], %broadcast_in_dim3A_10 {strides = array<i32>} : memref<32x128xf32, #tpu.memory_space<vmem>>, vector<16xf32>,
      %swap3A_500 = arith.index_cast %scan3A_480 : i32 to index
      %swap3A_501 = arith.constant 96 : index
      %swap3A_502 = tpu.vector_load %arg18[%swap3A_500, %swap3A_501] {strides = array<i32>} : memref<32x128xf32, #tpu.memory_space<vmem>>, vector<16xf32>,
      tpu.vector_store %arg18[%swap3A_500, %swap3A_501], %broadcast_in_dim3A_10 {strides = array<i32>} : memref<32x128xf32, #tpu.memory_space<vmem>>, vector<16xf32>,
      %swap3A_503 = arith.index_cast %scan3A_480 : i32 to index
      %swap3A_504 = arith.constant 112 : index
      %swap3A_505 = tpu.vector_load %arg18[%swap3A_503, %swap3A_504] {strides = array<i32>} : memref<32x128xf32, #tpu.memory_space<vmem>>, vector<16xf32>,
      tpu.vector_store %arg18[%swap3A_503, %swap3A_504], %broadcast_in_dim3A_10 {strides = array<i32>} : memref<32x128xf32, #tpu.memory_space<vmem>>, vector<16xf32>,
      %scan3A_506 = arith.constant 0 : i32
      scf.yield %scan3A_506 : i32
    }
    %scan3A_16 = arith.constant 32 : i32
    %mul3A_17 = arith.constant 32 : i32
    %mul3A_18 = arith.muli %arg1, %mul3A_17 : i32
    "tpu.region"() ({
      %run_scoped3A = tpu.sem_alloc : memref<!tpu.dma_semaphore, #tpu.memory_space<semaphore_mem>>
      %dma_start3A_480 = arith.constant 0 : i32
      %dma_start3A_481 = tpu.memref_slice %arg21[%mul3A_18, %dma_start3A_480] : memref<640x128xf32, #tpu.memory_space<vmem_shared>> -> memref<32x128xf32, #tpu.memory_space<vmem_shared>>
      %dma_start3A_482 = arith.constant 0 : i32
      %dma_start3A_483 = tpu.memref_slice %arg21[%mul3A_18, %dma_start3A_482] : memref<640x128xf32, #tpu.memory_space<vmem_shared>> -> memref<32x128xf32, #tpu.memory_space<vmem_shared>>
      tpu.enqueue_dma source(%arg18 : memref<32x128xf32, #tpu.memory_space<vmem>>) target(%dma_start3A_483 : memref<32x128xf32, #tpu.memory_space<vmem_shared>>) target_semaphore(%run_scoped3A : memref<!tpu.dma_semaphore, #tpu.memory_space<semaphore_mem>>)
      %dma_wait3A_484 = arith.constant 0 : i32
      %dma_wait3A_485 = tpu.memref_slice %arg21[%mul3A_18, %dma_wait3A_484] : memref<640x128xf32, #tpu.memory_space<vmem_shared>> -> memref<32x128xf32, #tpu.memory_space<vmem_shared>>
      %dma_wait3A_486 = arith.constant 0 : i32
      %dma_wait3A_487 = tpu.memref_slice %arg21[%mul3A_18, %dma_wait3A_486] : memref<640x128xf32, #tpu.memory_space<vmem_shared>> -> memref<32x128xf32, #tpu.memory_space<vmem_shared>>
      tpu.wait_dma2 semaphore(%run_scoped3A : memref<!tpu.dma_semaphore, #tpu.memory_space<semaphore_mem>>) src(%arg18 : memref<32x128xf32, #tpu.memory_space<vmem>>) dst(%dma_wait3A_487 : memref<32x128xf32, #tpu.memory_space<vmem_shared>>)
      tpu.yield
    }) : () -> ()
    %mul3A_19 = arith.constant 32 : i32
    %mul3A_20 = arith.muli %arg1, %mul3A_19 : i32
    "tpu.region"() ({
      %run_scoped3A = tpu.sem_alloc : memref<!tpu.dma_semaphore, #tpu.memory_space<semaphore_mem>>
      %dma_start3A_480 = arith.constant 0 : i32
      %dma_start3A_481 = tpu.memref_slice %arg22[%mul3A_20, %dma_start3A_480] : memref<640x128xf32, #tpu.memory_space<vmem_shared>> -> memref<32x128xf32, #tpu.memory_space<vmem_shared>>
      %dma_start3A_482 = arith.constant 0 : i32
      %dma_start3A_483 = tpu.memref_slice %arg22[%mul3A_20, %dma_start3A_482] : memref<640x128xf32, #tpu.memory_space<vmem_shared>> -> memref<32x128xf32, #tpu.memory_space<vmem_shared>>
      tpu.enqueue_dma source(%arg18 : memref<32x128xf32, #tpu.memory_space<vmem>>) target(%dma_start3A_483 : memref<32x128xf32, #tpu.memory_space<vmem_shared>>) target_semaphore(%run_scoped3A : memref<!tpu.dma_semaphore, #tpu.memory_space<semaphore_mem>>)
      %dma_wait3A_484 = arith.constant 0 : i32
      %dma_wait3A_485 = tpu.memref_slice %arg22[%mul3A_20, %dma_wait3A_484] : memref<640x128xf32, #tpu.memory_space<vmem_shared>> -> memref<32x128xf32, #tpu.memory_space<vmem_shared>>
      %dma_wait3A_486 = arith.constant 0 : i32
      %dma_wait3A_487 = tpu.memref_slice %arg22[%mul3A_20, %dma_wait3A_486] : memref<640x128xf32, #tpu.memory_space<vmem_shared>> -> memref<32x128xf32, #tpu.memory_space<vmem_shared>>
      tpu.wait_dma2 semaphore(%run_scoped3A : memref<!tpu.dma_semaphore, #tpu.memory_space<semaphore_mem>>) src(%arg18 : memref<32x128xf32, #tpu.memory_space<vmem>>) dst(%dma_wait3A_487 : memref<32x128xf32, #tpu.memory_space<vmem_shared>>)
      tpu.yield
    }) : () -> ()
    %broadcast_in_dim3A_21 = arith.constant -1 : i32
    %broadcast_in_dim3A_22 = vector.broadcast %broadcast_in_dim3A_21 : i32 to vector<16xi32>
    %scan3A_23 = arith.constant 0 : i32
    %scan3A_24 = arith.constant 0 : i32
    %scan3A_25 = arith.constant 625 : i32
    %scan3A_26 = arith.addi %scan3A_24, %scan3A_25 : i32
    %scan3A_27 = arith.constant 1 : i32
    %scan3A_28 = scf.for %scan3A_480 = %scan3A_24 to %scan3A_26 step %scan3A_27 iter_args(%scan3A_481 = %scan3A_23) -> (i32)  : i32 {
      %mul3A_482 = arith.constant 16 : i32
      %mul3A_483 = arith.muli %scan3A_480, %mul3A_482 : i32
      %swap3A_484 = arith.index_cast %mul3A_483 : i32 to index
      %swap3A_485 = tpu.vector_load %arg12[%swap3A_484] {strides = array<i32>} : memref<10000xi32, #tpu.memory_space<vmem>>, vector<16xi32>,
      tpu.vector_store %arg12[%swap3A_484], %broadcast_in_dim3A_22 {strides = array<i32>} : memref<10000xi32, #tpu.memory_space<vmem>>, vector<16xi32>,
      %scan3A_486 = arith.constant 0 : i32
      scf.yield %scan3A_486 : i32
    }
    %scan3A_29 = arith.constant 625 : i32
    %iota3A = tpu.iota {dimensions = array<i32: 0>} : vector<16xi32>
    tpu.wait_dma2 semaphore(%arg23 : memref<!tpu.dma_semaphore, #tpu.memory_space<semaphore_mem>>) src(%arg4 : memref<512xi32, #tpu.memory_space<hbm>>) dst(%arg13 : memref<512xi32, #tpu.memory_space<vmem>>)
    "tpu.trace_start"() <{level = 10 : i32, message = "ph_slotmap"}> : () -> ()
    %scan3A_30 = arith.constant 0 : i32
    %scan3A_31 = arith.constant 0 : i32
    %scan3A_32 = arith.constant 512 : i32
    %scan3A_33 = arith.addi %scan3A_31, %scan3A_32 : i32
    %scan3A_34 = arith.constant 1 : i32
    %scan3A_35 = scf.for %scan3A_480 = %scan3A_31 to %scan3A_33 step %scan3A_34 iter_args(%scan3A_481 = %scan3A_30) -> (i32)  : i32 {
      %jit3A = arith.constant 16 : i32
      %div3A_482 = arith.divsi %scan3A_480, %jit3A : i32
      %sign3A = arith.constant 0 : i32
      %sign3A_483 = arith.cmpi sgt, %scan3A_480, %sign3A : i32
      %sign3A_484 = arith.extui %sign3A_483 : i1 to i32
      %sign3A_485 = arith.constant 0 : i32
      %sign3A_486 = arith.cmpi slt, %scan3A_480, %sign3A_485 : i32
      %sign3A_487 = arith.extui %sign3A_486 : i1 to i32
      %sign3A_488 = arith.subi %sign3A_484, %sign3A_487 : i32
      %sign3A_489 = arith.constant 0 : i32
      %sign3A_490 = arith.cmpi sgt, %jit3A, %sign3A_489 : i32
      %sign3A_491 = arith.extui %sign3A_490 : i1 to i32
      %sign3A_492 = arith.constant 0 : i32
      %sign3A_493 = arith.cmpi slt, %jit3A, %sign3A_492 : i32
      %sign3A_494 = arith.extui %sign3A_493 : i1 to i32
      %sign3A_495 = arith.subi %sign3A_491, %sign3A_494 : i32
      %ne3A = arith.cmpi ne, %sign3A_488, %sign3A_495 : i32
      %rem3A = arith.remsi %scan3A_480, %jit3A : i32
      %ne3A_496 = arith.constant 0 : i32
      %ne3A_497 = arith.cmpi ne, %rem3A, %ne3A_496 : i32
      %and3A_498 = arith.andi %ne3A, %ne3A_497 : i1
      %sub3A = arith.constant 1 : i32
      %sub3A_499 = arith.subi %div3A_482, %sub3A : i32
      %select_n3A = arith.select %and3A_498, %sub3A_499, %div3A_482 : i32
      %mul3A_500 = arith.constant 16 : i32
      %mul3A_501 = arith.muli %select_n3A, %mul3A_500 : i32
      %sub3A_502 = arith.subi %scan3A_480, %mul3A_501 : i32
      %mul3A_503 = arith.constant 16 : i32
      %mul3A_504 = arith.muli %select_n3A, %mul3A_503 : i32
      %get3A_505 = arith.index_cast %mul3A_504 : i32 to index
      %get3A_506 = tpu.vector_load %arg13[%get3A_505] {strides = array<i32>} : memref<512xi32, #tpu.memory_space<vmem>>, vector<16xi32>,
      %mul3A_507 = arith.constant 16 : i32
      %mul3A_508 = arith.muli %select_n3A, %mul3A_507 : i32
      %add3A_509 = vector.broadcast %mul3A_508 : i32 to vector<16xi32>
      %add3A_510 = arith.addi %iota3A, %add3A_509 : vector<16xi32>
      %eq3A_511 = vector.broadcast %sub3A_502 : i32 to vector<16xi32>
      %eq3A_512 = arith.cmpi eq, %iota3A, %eq3A_511 : vector<16xi32>
      %ge3A = arith.constant 0 : i32
      %ge3A_513 = vector.broadcast %ge3A : i32 to vector<16xi32>
      %ge3A_514 = arith.cmpi sge, %get3A_506, %ge3A_513 : vector<16xi32>
      %and3A_515 = arith.andi %eq3A_512, %ge3A_514 : vector<16xi1>
      %max3A = arith.constant 0 : i32
      %max3A_516 = vector.broadcast %max3A : i32 to vector<16xi32>
      %max3A_517 = arith.maxsi %get3A_506, %max3A_516 : vector<16xi32>
      tpu.vector_store_idx %arg12[%max3A_517], %add3A_510 masked %and3A_515 : memref<10000xi32, #tpu.memory_space<vmem>>[vector<16xi32>], vector<16xi32>, vector<16xi1>
      %scan3A_518 = arith.constant 0 : i32
      scf.yield %scan3A_518 : i32
    }
    %scan3A_36 = arith.constant 512 : i32
    "tpu.trace_stop"() : () -> ()
    %add3A_37 = arith.constant 0 : i32
    %add3A_38 = vector.broadcast %add3A_37 : i32 to vector<16xi32>
    %add3A_39 = arith.addi %iota3A, %add3A_38 : vector<16xi32>
    %swap3A = arith.constant 0 : index
    %swap3A_40 = tpu.vector_load %arg14[%swap3A] {strides = array<i32>} : memref<128xi32, #tpu.memory_space<vmem>>, vector<16xi32>,
    tpu.vector_store %arg14[%swap3A], %add3A_39 {strides = array<i32>} : memref<128xi32, #tpu.memory_space<vmem>>, vector<16xi32>,
    %add3A_41 = arith.constant 512 : i32
    %add3A_42 = vector.broadcast %add3A_41 : i32 to vector<16xi32>
    %add3A_43 = arith.addi %iota3A, %add3A_42 : vector<16xi32>
    %swap3A_44 = arith.constant 0 : index
    %swap3A_45 = tpu.vector_load %arg15[%swap3A_44] {strides = array<i32>} : memref<128xi32, #tpu.memory_space<vmem>>, vector<16xi32>,
    tpu.vector_store %arg15[%swap3A_44], %add3A_43 {strides = array<i32>} : memref<128xi32, #tpu.memory_space<vmem>>, vector<16xi32>,
    %swap3A_46 = arith.constant 0 : index
    %swap3A_47 = tpu.vector_load %arg16[%swap3A_46] {strides = array<i32>} : memref<128xf32, #tpu.memory_space<vmem>>, vector<16xf32>,
    tpu.vector_store %arg16[%swap3A_46], %broadcast_in_dim3A_10 {strides = array<i32>} : memref<128xf32, #tpu.memory_space<vmem>>, vector<16xf32>,
    %add3A_48 = arith.constant 16 : i32
    %add3A_49 = vector.broadcast %add3A_48 : i32 to vector<16xi32>
    %add3A_50 = arith.addi %iota3A, %add3A_49 : vector<16xi32>
    %swap3A_51 = arith.constant 16 : index
    %swap3A_52 = tpu.vector_load %arg14[%swap3A_51] {strides = array<i32>} : memref<128xi32, #tpu.memory_space<vmem>>, vector<16xi32>,
    tpu.vector_store %arg14[%swap3A_51], %add3A_50 {strides = array<i32>} : memref<128xi32, #tpu.memory_space<vmem>>, vector<16xi32>,
    %add3A_53 = arith.constant 528 : i32
    %add3A_54 = vector.broadcast %add3A_53 : i32 to vector<16xi32>
    %add3A_55 = arith.addi %iota3A, %add3A_54 : vector<16xi32>
    %swap3A_56 = arith.constant 16 : index
    %swap3A_57 = tpu.vector_load %arg15[%swap3A_56] {strides = array<i32>} : memref<128xi32, #tpu.memory_space<vmem>>, vector<16xi32>,
    tpu.vector_store %arg15[%swap3A_56], %add3A_55 {strides = array<i32>} : memref<128xi32, #tpu.memory_space<vmem>>, vector<16xi32>,
    %swap3A_58 = arith.constant 16 : index
    %swap3A_59 = tpu.vector_load %arg16[%swap3A_58] {strides = array<i32>} : memref<128xf32, #tpu.memory_space<vmem>>, vector<16xf32>,
    tpu.vector_store %arg16[%swap3A_58], %broadcast_in_dim3A_10 {strides = array<i32>} : memref<128xf32, #tpu.memory_space<vmem>>, vector<16xf32>,
    %add3A_60 = arith.constant 32 : i32
    %add3A_61 = vector.broadcast %add3A_60 : i32 to vector<16xi32>
    %add3A_62 = arith.addi %iota3A, %add3A_61 : vector<16xi32>
    %swap3A_63 = arith.constant 32 : index
    %swap3A_64 = tpu.vector_load %arg14[%swap3A_63] {strides = array<i32>} : memref<128xi32, #tpu.memory_space<vmem>>, vector<16xi32>,
    tpu.vector_store %arg14[%swap3A_63], %add3A_62 {strides = array<i32>} : memref<128xi32, #tpu.memory_space<vmem>>, vector<16xi32>,
    %add3A_65 = arith.constant 544 : i32
    %add3A_66 = vector.broadcast %add3A_65 : i32 to vector<16xi32>
    %add3A_67 = arith.addi %iota3A, %add3A_66 : vector<16xi32>
    %swap3A_68 = arith.constant 32 : index
    %swap3A_69 = tpu.vector_load %arg15[%swap3A_68] {strides = array<i32>} : memref<128xi32, #tpu.memory_space<vmem>>, vector<16xi32>,
    tpu.vector_store %arg15[%swap3A_68], %add3A_67 {strides = array<i32>} : memref<128xi32, #tpu.memory_space<vmem>>, vector<16xi32>,
    %swap3A_70 = arith.constant 32 : index
    %swap3A_71 = tpu.vector_load %arg16[%swap3A_70] {strides = array<i32>} : memref<128xf32, #tpu.memory_space<vmem>>, vector<16xf32>,
    tpu.vector_store %arg16[%swap3A_70], %broadcast_in_dim3A_10 {strides = array<i32>} : memref<128xf32, #tpu.memory_space<vmem>>, vector<16xf32>,
    %add3A_72 = arith.constant 48 : i32
    %add3A_73 = vector.broadcast %add3A_72 : i32 to vector<16xi32>
    %add3A_74 = arith.addi %iota3A, %add3A_73 : vector<16xi32>
    %swap3A_75 = arith.constant 48 : index
    %swap3A_76 = tpu.vector_load %arg14[%swap3A_75] {strides = array<i32>} : memref<128xi32, #tpu.memory_space<vmem>>, vector<16xi32>,
    tpu.vector_store %arg14[%swap3A_75], %add3A_74 {strides = array<i32>} : memref<128xi32, #tpu.memory_space<vmem>>, vector<16xi32>,
    %add3A_77 = arith.constant 560 : i32
    %add3A_78 = vector.broadcast %add3A_77 : i32 to vector<16xi32>
    %add3A_79 = arith.addi %iota3A, %add3A_78 : vector<16xi32>
    %swap3A_80 = arith.constant 48 : index
    %swap3A_81 = tpu.vector_load %arg15[%swap3A_80] {strides = array<i32>} : memref<128xi32, #tpu.memory_space<vmem>>, vector<16xi32>,
    tpu.vector_store %arg15[%swap3A_80], %add3A_79 {strides = array<i32>} : memref<128xi32, #tpu.memory_space<vmem>>, vector<16xi32>,
    %swap3A_82 = arith.constant 48 : index
    %swap3A_83 = tpu.vector_load %arg16[%swap3A_82] {strides = array<i32>} : memref<128xf32, #tpu.memory_space<vmem>>, vector<16xf32>,
    tpu.vector_store %arg16[%swap3A_82], %broadcast_in_dim3A_10 {strides = array<i32>} : memref<128xf32, #tpu.memory_space<vmem>>, vector<16xf32>,
    %add3A_84 = arith.constant 64 : i32
    %add3A_85 = vector.broadcast %add3A_84 : i32 to vector<16xi32>
    %add3A_86 = arith.addi %iota3A, %add3A_85 : vector<16xi32>
    %swap3A_87 = arith.constant 64 : index
    %swap3A_88 = tpu.vector_load %arg14[%swap3A_87] {strides = array<i32>} : memref<128xi32, #tpu.memory_space<vmem>>, vector<16xi32>,
    tpu.vector_store %arg14[%swap3A_87], %add3A_86 {strides = array<i32>} : memref<128xi32, #tpu.memory_space<vmem>>, vector<16xi32>,
    %add3A_89 = arith.constant 576 : i32
    %add3A_90 = vector.broadcast %add3A_89 : i32 to vector<16xi32>
    %add3A_91 = arith.addi %iota3A, %add3A_90 : vector<16xi32>
    %swap3A_92 = arith.constant 64 : index
    %swap3A_93 = tpu.vector_load %arg15[%swap3A_92] {strides = array<i32>} : memref<128xi32, #tpu.memory_space<vmem>>, vector<16xi32>,
    tpu.vector_store %arg15[%swap3A_92], %add3A_91 {strides = array<i32>} : memref<128xi32, #tpu.memory_space<vmem>>, vector<16xi32>,
    %swap3A_94 = arith.constant 64 : index
    %swap3A_95 = tpu.vector_load %arg16[%swap3A_94] {strides = array<i32>} : memref<128xf32, #tpu.memory_space<vmem>>, vector<16xf32>,
    tpu.vector_store %arg16[%swap3A_94], %broadcast_in_dim3A_10 {strides = array<i32>} : memref<128xf32, #tpu.memory_space<vmem>>, vector<16xf32>,
    %add3A_96 = arith.constant 80 : i32
    %add3A_97 = vector.broadcast %add3A_96 : i32 to vector<16xi32>
    %add3A_98 = arith.addi %iota3A, %add3A_97 : vector<16xi32>
    %swap3A_99 = arith.constant 80 : index
    %swap3A_100 = tpu.vector_load %arg14[%swap3A_99] {strides = array<i32>} : memref<128xi32, #tpu.memory_space<vmem>>, vector<16xi32>,
    tpu.vector_store %arg14[%swap3A_99], %add3A_98 {strides = array<i32>} : memref<128xi32, #tpu.memory_space<vmem>>, vector<16xi32>,
    %add3A_101 = arith.constant 592 : i32
    %add3A_102 = vector.broadcast %add3A_101 : i32 to vector<16xi32>
    %add3A_103 = arith.addi %iota3A, %add3A_102 : vector<16xi32>
    %swap3A_104 = arith.constant 80 : index
    %swap3A_105 = tpu.vector_load %arg15[%swap3A_104] {strides = array<i32>} : memref<128xi32, #tpu.memory_space<vmem>>, vector<16xi32>,
    tpu.vector_store %arg15[%swap3A_104], %add3A_103 {strides = array<i32>} : memref<128xi32, #tpu.memory_space<vmem>>, vector<16xi32>,
    %swap3A_106 = arith.constant 80 : index
    %swap3A_107 = tpu.vector_load %arg16[%swap3A_106] {strides = array<i32>} : memref<128xf32, #tpu.memory_space<vmem>>, vector<16xf32>,
    tpu.vector_store %arg16[%swap3A_106], %broadcast_in_dim3A_10 {strides = array<i32>} : memref<128xf32, #tpu.memory_space<vmem>>, vector<16xf32>,
    %add3A_108 = arith.constant 96 : i32
    %add3A_109 = vector.broadcast %add3A_108 : i32 to vector<16xi32>
    %add3A_110 = arith.addi %iota3A, %add3A_109 : vector<16xi32>
    %swap3A_111 = arith.constant 96 : index
    %swap3A_112 = tpu.vector_load %arg14[%swap3A_111] {strides = array<i32>} : memref<128xi32, #tpu.memory_space<vmem>>, vector<16xi32>,
    tpu.vector_store %arg14[%swap3A_111], %add3A_110 {strides = array<i32>} : memref<128xi32, #tpu.memory_space<vmem>>, vector<16xi32>,
    %add3A_113 = arith.constant 608 : i32
    %add3A_114 = vector.broadcast %add3A_113 : i32 to vector<16xi32>
    %add3A_115 = arith.addi %iota3A, %add3A_114 : vector<16xi32>
    %swap3A_116 = arith.constant 96 : index
    %swap3A_117 = tpu.vector_load %arg15[%swap3A_116] {strides = array<i32>} : memref<128xi32, #tpu.memory_space<vmem>>, vector<16xi32>,
    tpu.vector_store %arg15[%swap3A_116], %add3A_115 {strides = array<i32>} : memref<128xi32, #tpu.memory_space<vmem>>, vector<16xi32>,
    %swap3A_118 = arith.constant 96 : index
    %swap3A_119 = tpu.vector_load %arg16[%swap3A_118] {strides = array<i32>} : memref<128xf32, #tpu.memory_space<vmem>>, vector<16xf32>,
    tpu.vector_store %arg16[%swap3A_118], %broadcast_in_dim3A_10 {strides = array<i32>} : memref<128xf32, #tpu.memory_space<vmem>>, vector<16xf32>,
    %add3A_120 = arith.constant 112 : i32
    %add3A_121 = vector.broadcast %add3A_120 : i32 to vector<16xi32>
    %add3A_122 = arith.addi %iota3A, %add3A_121 : vector<16xi32>
    %swap3A_123 = arith.constant 112 : index
    %swap3A_124 = tpu.vector_load %arg14[%swap3A_123] {strides = array<i32>} : memref<128xi32, #tpu.memory_space<vmem>>, vector<16xi32>,
    tpu.vector_store %arg14[%swap3A_123], %add3A_122 {strides = array<i32>} : memref<128xi32, #tpu.memory_space<vmem>>, vector<16xi32>,
    %add3A_125 = arith.constant 624 : i32
    %add3A_126 = vector.broadcast %add3A_125 : i32 to vector<16xi32>
    %add3A_127 = arith.addi %iota3A, %add3A_126 : vector<16xi32>
    %swap3A_128 = arith.constant 112 : index
    %swap3A_129 = tpu.vector_load %arg15[%swap3A_128] {strides = array<i32>} : memref<128xi32, #tpu.memory_space<vmem>>, vector<16xi32>,
    tpu.vector_store %arg15[%swap3A_128], %add3A_127 {strides = array<i32>} : memref<128xi32, #tpu.memory_space<vmem>>, vector<16xi32>,
    %swap3A_130 = arith.constant 112 : index
    %swap3A_131 = tpu.vector_load %arg16[%swap3A_130] {strides = array<i32>} : memref<128xf32, #tpu.memory_space<vmem>>, vector<16xf32>,
    tpu.vector_store %arg16[%swap3A_130], %broadcast_in_dim3A_10 {strides = array<i32>} : memref<128xf32, #tpu.memory_space<vmem>>, vector<16xf32>,
    "tpu.trace_start"() <{level = 10 : i32, message = "ph_dmawait"}> : () -> ()
    %dma_wait3A = tpu.memref_slice %arg2[%add3A_4] : memref<640000xi32, #tpu.memory_space<hbm>> -> memref<10000xi32, #tpu.memory_space<hbm>>
    %dma_wait3A_132 = tpu.memref_slice %arg2[%add3A_4] : memref<640000xi32, #tpu.memory_space<hbm>> -> memref<10000xi32, #tpu.memory_space<hbm>>
    tpu.wait_dma2 semaphore(%arg23 : memref<!tpu.dma_semaphore, #tpu.memory_space<semaphore_mem>>) src(%dma_wait3A_132 : memref<10000xi32, #tpu.memory_space<hbm>>) dst(%arg9 : memref<10000xi32, #tpu.memory_space<vmem>>)
    %dma_wait3A_133 = tpu.memref_slice %arg2[%mul3A_2] : memref<640000xi32, #tpu.memory_space<hbm>> -> memref<10000xi32, #tpu.memory_space<hbm>>
    %dma_wait3A_134 = tpu.memref_slice %arg2[%mul3A_2] : memref<640000xi32, #tpu.memory_space<hbm>> -> memref<10000xi32, #tpu.memory_space<hbm>>
    tpu.wait_dma2 semaphore(%arg23 : memref<!tpu.dma_semaphore, #tpu.memory_space<semaphore_mem>>) src(%dma_wait3A_134 : memref<10000xi32, #tpu.memory_space<hbm>>) dst(%arg10 : memref<10000xi32, #tpu.memory_space<vmem>>)
    %dma_wait3A_135 = tpu.memref_slice %arg3[%mul3A_2] : memref<320000xf32, #tpu.memory_space<hbm>> -> memref<10000xf32, #tpu.memory_space<hbm>>
    %dma_wait3A_136 = tpu.memref_slice %arg3[%mul3A_2] : memref<320000xf32, #tpu.memory_space<hbm>> -> memref<10000xf32, #tpu.memory_space<hbm>>
    tpu.wait_dma2 semaphore(%arg23 : memref<!tpu.dma_semaphore, #tpu.memory_space<semaphore_mem>>) src(%dma_wait3A_136 : memref<10000xf32, #tpu.memory_space<hbm>>) dst(%arg11 : memref<10000xf32, #tpu.memory_space<vmem>>)
    "tpu.trace_stop"() : () -> ()
    %scan3A_137 = arith.constant 0 : i32
    %scan3A_138 = arith.constant 0 : i32
    %scan3A_139 = arith.constant 625 : i32
    %scan3A_140 = arith.addi %scan3A_138, %scan3A_139 : i32
    %scan3A_141 = arith.constant 1 : i32
    %scan3A_142 = scf.for %scan3A_480 = %scan3A_138 to %scan3A_140 step %scan3A_141 iter_args(%scan3A_481 = %scan3A_137) -> (i32)  : i32 {
      %mul3A_482 = arith.constant 16 : i32
      %mul3A_483 = arith.muli %scan3A_480, %mul3A_482 : i32
      %get3A_484 = arith.index_cast %mul3A_483 : i32 to index
      %get3A_485 = tpu.vector_load %arg9[%get3A_484] {strides = array<i32>} : memref<10000xi32, #tpu.memory_space<vmem>>, vector<16xi32>,
      %gather3A = tpu.vector_load_idx %arg12[%get3A_485] : memref<10000xi32, #tpu.memory_space<vmem>>[vector<16xi32>], vector<16xi32>,
      %ge3A = arith.constant 0 : i32
      %ge3A_486 = vector.broadcast %ge3A : i32 to vector<16xi32>
      %ge3A_487 = arith.cmpi sge, %gather3A, %ge3A_486 : vector<16xi32>
      %jit3A = arith.constant 1 : i32
      %jit3A_488 = arith.constant 0 : i32
      %broadcast_in_dim3A_489 = vector.broadcast %jit3A : i32 to vector<16xi32>
      %broadcast_in_dim3A_490 = vector.broadcast %jit3A_488 : i32 to vector<16xi32>
      %select_n3A = arith.select %ge3A_487, %broadcast_in_dim3A_489, %broadcast_in_dim3A_490 : vector<16xi1>, vector<16xi32>
      %reduce_sum3A = arith.constant true
      %reduce_sum3A_491 = vector.broadcast %reduce_sum3A : i1 to vector<16xi1>
      %reduce_sum3A_492 = tpu.scan <sum>, %select_n3A masked %reduce_sum3A_491 : vector<16xi32>, vector<16xi1> -> vector<16xi32>
      %reduce_sum3A_493 = vector.extract %reduce_sum3A_492[15] : i32 from vector<16xi32>
      %mul3A_494 = arith.constant 16 : i32
      %mul3A_495 = arith.muli %scan3A_480, %mul3A_494 : i32
      %get3A_496 = arith.index_cast %mul3A_495 : i32 to index
      %get3A_497 = tpu.vector_load %arg10[%get3A_496] {strides = array<i32>} : memref<10000xi32, #tpu.memory_space<vmem>>, vector<16xi32>,
      %swap3A_498 = arith.index_cast %scan3A_481 : i32 to index
      %swap3A_499 = tpu.vector_load %arg14[%swap3A_498] masked %ge3A_487 {strides = array<i32>} : memref<128xi32, #tpu.memory_space<vmem>>, vector<16xi32>, vector<16xi1>
      tpu.vector_store %arg14[%swap3A_498], %get3A_497 masked %ge3A_487 {strides = array<i32>} : memref<128xi32, #tpu.memory_space<vmem>>, vector<16xi32>, vector<16xi1>
      %swap3A_500 = arith.index_cast %scan3A_481 : i32 to index
      %swap3A_501 = tpu.vector_load %arg15[%swap3A_500] masked %ge3A_487 {strides = array<i32>} : memref<128xi32, #tpu.memory_space<vmem>>, vector<16xi32>, vector<16xi1>
      tpu.vector_store %arg15[%swap3A_500], %gather3A masked %ge3A_487 {strides = array<i32>} : memref<128xi32, #tpu.memory_space<vmem>>, vector<16xi32>, vector<16xi1>
      %mul3A_502 = arith.constant 16 : i32
      %mul3A_503 = arith.muli %scan3A_480, %mul3A_502 : i32
      %get3A_504 = arith.index_cast %mul3A_503 : i32 to index
      %get3A_505 = tpu.vector_load %arg11[%get3A_504] {strides = array<i32>} : memref<10000xf32, #tpu.memory_space<vmem>>, vector<16xf32>,
      %swap3A_506 = arith.index_cast %scan3A_481 : i32 to index
      %swap3A_507 = tpu.vector_load %arg16[%swap3A_506] masked %ge3A_487 {strides = array<i32>} : memref<128xf32, #tpu.memory_space<vmem>>, vector<16xf32>, vector<16xi1>
      tpu.vector_store %arg16[%swap3A_506], %get3A_505 masked %ge3A_487 {strides = array<i32>} : memref<128xf32, #tpu.memory_space<vmem>>, vector<16xf32>, vector<16xi1>
      %add3A_508 = arith.addi %scan3A_481, %reduce_sum3A_493 : i32
      %min3A = arith.constant 112 : i32
      %min3A_509 = arith.minsi %add3A_508, %min3A : i32
      scf.yield %min3A_509 : i32
    }
    %scan3A_143 = arith.constant 625 : i32
    %get3A = arith.constant 0 : index
    %get3A_144 = tpu.vector_load %arg16[%get3A] {strides = array<i32>} : memref<128xf32, #tpu.memory_space<vmem>>, vector<16xf32>,
    %neg3A = arith.constant 0.000000e+00 : f32
    %neg3A_145 = vector.broadcast %neg3A : f32 to vector<16xf32>
    %neg3A_146 = arith.subf %neg3A_145, %get3A_144 : vector<16xf32>
    %exp3A = math.exp %neg3A_146 : vector<16xf32>
    %add3A_147 = arith.constant 1.000000e+00 : f32
    %add3A_148 = vector.broadcast %add3A_147 : f32 to vector<16xf32>
    %add3A_149 = arith.addf %add3A_148, %exp3A : vector<16xf32>
    %div3A = arith.constant 1.000000e+00 : f32
    %div3A_150 = vector.broadcast %div3A : f32 to vector<16xf32>
    %div3A_151 = arith.divf %div3A_150, %add3A_149 : vector<16xf32>
    %swap3A_152 = arith.constant 0 : index
    %swap3A_153 = tpu.vector_load %arg16[%swap3A_152] {strides = array<i32>} : memref<128xf32, #tpu.memory_space<vmem>>, vector<16xf32>,
    tpu.vector_store %arg16[%swap3A_152], %div3A_151 {strides = array<i32>} : memref<128xf32, #tpu.memory_space<vmem>>, vector<16xf32>,
    %get3A_154 = arith.constant 0 : index
    %get3A_155 = tpu.vector_load %arg14[%get3A_154] {strides = array<i32>} : memref<128xi32, #tpu.memory_space<vmem>>, vector<16xi32>,
    %swap3A_156 = arith.constant 0 : i32
    %swap3A_157 = arith.index_cast %swap3A_156 : i32 to index
    %swap3A_158 = arith.constant 0 : index
    %swap3A_159 = tpu.vector_load %arg20[%swap3A_157, %swap3A_158] {strides = array<i32>} : memref<8x16xi32, #tpu.memory_space<vmem>>, vector<16xi32>,
    tpu.vector_store %arg20[%swap3A_157, %swap3A_158], %get3A_155 {strides = array<i32>} : memref<8x16xi32, #tpu.memory_space<vmem>>, vector<16xi32>,
    %get3A_160 = arith.constant 16 : index
    %get3A_161 = tpu.vector_load %arg16[%get3A_160] {strides = array<i32>} : memref<128xf32, #tpu.memory_space<vmem>>, vector<16xf32>,
    %neg3A_162 = arith.constant 0.000000e+00 : f32
    %neg3A_163 = vector.broadcast %neg3A_162 : f32 to vector<16xf32>
    %neg3A_164 = arith.subf %neg3A_163, %get3A_161 : vector<16xf32>
    %exp3A_165 = math.exp %neg3A_164 : vector<16xf32>
    %add3A_166 = arith.constant 1.000000e+00 : f32
    %add3A_167 = vector.broadcast %add3A_166 : f32 to vector<16xf32>
    %add3A_168 = arith.addf %add3A_167, %exp3A_165 : vector<16xf32>
    %div3A_169 = arith.constant 1.000000e+00 : f32
    %div3A_170 = vector.broadcast %div3A_169 : f32 to vector<16xf32>
    %div3A_171 = arith.divf %div3A_170, %add3A_168 : vector<16xf32>
    %swap3A_172 = arith.constant 16 : index
    %swap3A_173 = tpu.vector_load %arg16[%swap3A_172] {strides = array<i32>} : memref<128xf32, #tpu.memory_space<vmem>>, vector<16xf32>,
    tpu.vector_store %arg16[%swap3A_172], %div3A_171 {strides = array<i32>} : memref<128xf32, #tpu.memory_space<vmem>>, vector<16xf32>,
    %get3A_174 = arith.constant 16 : index
    %get3A_175 = tpu.vector_load %arg14[%get3A_174] {strides = array<i32>} : memref<128xi32, #tpu.memory_space<vmem>>, vector<16xi32>,
    %swap3A_176 = arith.constant 1 : i32
    %swap3A_177 = arith.index_cast %swap3A_176 : i32 to index
    %swap3A_178 = arith.constant 0 : index
    %swap3A_179 = tpu.vector_load %arg20[%swap3A_177, %swap3A_178] {strides = array<i32>} : memref<8x16xi32, #tpu.memory_space<vmem>>, vector<16xi32>,
    tpu.vector_store %arg20[%swap3A_177, %swap3A_178], %get3A_175 {strides = array<i32>} : memref<8x16xi32, #tpu.memory_space<vmem>>, vector<16xi32>,
    %get3A_180 = arith.constant 32 : index
    %get3A_181 = tpu.vector_load %arg16[%get3A_180] {strides = array<i32>} : memref<128xf32, #tpu.memory_space<vmem>>, vector<16xf32>,
    %neg3A_182 = arith.constant 0.000000e+00 : f32
    %neg3A_183 = vector.broadcast %neg3A_182 : f32 to vector<16xf32>
    %neg3A_184 = arith.subf %neg3A_183, %get3A_181 : vector<16xf32>
    %exp3A_185 = math.exp %neg3A_184 : vector<16xf32>
    %add3A_186 = arith.constant 1.000000e+00 : f32
    %add3A_187 = vector.broadcast %add3A_186 : f32 to vector<16xf32>
    %add3A_188 = arith.addf %add3A_187, %exp3A_185 : vector<16xf32>
    %div3A_189 = arith.constant 1.000000e+00 : f32
    %div3A_190 = vector.broadcast %div3A_189 : f32 to vector<16xf32>
    %div3A_191 = arith.divf %div3A_190, %add3A_188 : vector<16xf32>
    %swap3A_192 = arith.constant 32 : index
    %swap3A_193 = tpu.vector_load %arg16[%swap3A_192] {strides = array<i32>} : memref<128xf32, #tpu.memory_space<vmem>>, vector<16xf32>,
    tpu.vector_store %arg16[%swap3A_192], %div3A_191 {strides = array<i32>} : memref<128xf32, #tpu.memory_space<vmem>>, vector<16xf32>,
    %get3A_194 = arith.constant 32 : index
    %get3A_195 = tpu.vector_load %arg14[%get3A_194] {strides = array<i32>} : memref<128xi32, #tpu.memory_space<vmem>>, vector<16xi32>,
    %swap3A_196 = arith.constant 2 : i32
    %swap3A_197 = arith.index_cast %swap3A_196 : i32 to index
    %swap3A_198 = arith.constant 0 : index
    %swap3A_199 = tpu.vector_load %arg20[%swap3A_197, %swap3A_198] {strides = array<i32>} : memref<8x16xi32, #tpu.memory_space<vmem>>, vector<16xi32>,
    tpu.vector_store %arg20[%swap3A_197, %swap3A_198], %get3A_195 {strides = array<i32>} : memref<8x16xi32, #tpu.memory_space<vmem>>, vector<16xi32>,
    %get3A_200 = arith.constant 48 : index
    %get3A_201 = tpu.vector_load %arg16[%get3A_200] {strides = array<i32>} : memref<128xf32, #tpu.memory_space<vmem>>, vector<16xf32>,
    %neg3A_202 = arith.constant 0.000000e+00 : f32
    %neg3A_203 = vector.broadcast %neg3A_202 : f32 to vector<16xf32>
    %neg3A_204 = arith.subf %neg3A_203, %get3A_201 : vector<16xf32>
    %exp3A_205 = math.exp %neg3A_204 : vector<16xf32>
    %add3A_206 = arith.constant 1.000000e+00 : f32
    %add3A_207 = vector.broadcast %add3A_206 : f32 to vector<16xf32>
    %add3A_208 = arith.addf %add3A_207, %exp3A_205 : vector<16xf32>
    %div3A_209 = arith.constant 1.000000e+00 : f32
    %div3A_210 = vector.broadcast %div3A_209 : f32 to vector<16xf32>
    %div3A_211 = arith.divf %div3A_210, %add3A_208 : vector<16xf32>
    %swap3A_212 = arith.constant 48 : index
    %swap3A_213 = tpu.vector_load %arg16[%swap3A_212] {strides = array<i32>} : memref<128xf32, #tpu.memory_space<vmem>>, vector<16xf32>,
    tpu.vector_store %arg16[%swap3A_212], %div3A_211 {strides = array<i32>} : memref<128xf32, #tpu.memory_space<vmem>>, vector<16xf32>,
    %get3A_214 = arith.constant 48 : index
    %get3A_215 = tpu.vector_load %arg14[%get3A_214] {strides = array<i32>} : memref<128xi32, #tpu.memory_space<vmem>>, vector<16xi32>,
    %swap3A_216 = arith.constant 3 : i32
    %swap3A_217 = arith.index_cast %swap3A_216 : i32 to index
    %swap3A_218 = arith.constant 0 : index
    %swap3A_219 = tpu.vector_load %arg20[%swap3A_217, %swap3A_218] {strides = array<i32>} : memref<8x16xi32, #tpu.memory_space<vmem>>, vector<16xi32>,
    tpu.vector_store %arg20[%swap3A_217, %swap3A_218], %get3A_215 {strides = array<i32>} : memref<8x16xi32, #tpu.memory_space<vmem>>, vector<16xi32>,
    %get3A_220 = arith.constant 64 : index
    %get3A_221 = tpu.vector_load %arg16[%get3A_220] {strides = array<i32>} : memref<128xf32, #tpu.memory_space<vmem>>, vector<16xf32>,
    %neg3A_222 = arith.constant 0.000000e+00 : f32
    %neg3A_223 = vector.broadcast %neg3A_222 : f32 to vector<16xf32>
    %neg3A_224 = arith.subf %neg3A_223, %get3A_221 : vector<16xf32>
    %exp3A_225 = math.exp %neg3A_224 : vector<16xf32>
    %add3A_226 = arith.constant 1.000000e+00 : f32
    %add3A_227 = vector.broadcast %add3A_226 : f32 to vector<16xf32>
    %add3A_228 = arith.addf %add3A_227, %exp3A_225 : vector<16xf32>
    %div3A_229 = arith.constant 1.000000e+00 : f32
    %div3A_230 = vector.broadcast %div3A_229 : f32 to vector<16xf32>
    %div3A_231 = arith.divf %div3A_230, %add3A_228 : vector<16xf32>
    %swap3A_232 = arith.constant 64 : index
    %swap3A_233 = tpu.vector_load %arg16[%swap3A_232] {strides = array<i32>} : memref<128xf32, #tpu.memory_space<vmem>>, vector<16xf32>,
    tpu.vector_store %arg16[%swap3A_232], %div3A_231 {strides = array<i32>} : memref<128xf32, #tpu.memory_space<vmem>>, vector<16xf32>,
    %get3A_234 = arith.constant 64 : index
    %get3A_235 = tpu.vector_load %arg14[%get3A_234] {strides = array<i32>} : memref<128xi32, #tpu.memory_space<vmem>>, vector<16xi32>,
    %swap3A_236 = arith.constant 4 : i32
    %swap3A_237 = arith.index_cast %swap3A_236 : i32 to index
    %swap3A_238 = arith.constant 0 : index
    %swap3A_239 = tpu.vector_load %arg20[%swap3A_237, %swap3A_238] {strides = array<i32>} : memref<8x16xi32, #tpu.memory_space<vmem>>, vector<16xi32>,
    tpu.vector_store %arg20[%swap3A_237, %swap3A_238], %get3A_235 {strides = array<i32>} : memref<8x16xi32, #tpu.memory_space<vmem>>, vector<16xi32>,
    %get3A_240 = arith.constant 80 : index
    %get3A_241 = tpu.vector_load %arg16[%get3A_240] {strides = array<i32>} : memref<128xf32, #tpu.memory_space<vmem>>, vector<16xf32>,
    %neg3A_242 = arith.constant 0.000000e+00 : f32
    %neg3A_243 = vector.broadcast %neg3A_242 : f32 to vector<16xf32>
    %neg3A_244 = arith.subf %neg3A_243, %get3A_241 : vector<16xf32>
    %exp3A_245 = math.exp %neg3A_244 : vector<16xf32>
    %add3A_246 = arith.constant 1.000000e+00 : f32
    %add3A_247 = vector.broadcast %add3A_246 : f32 to vector<16xf32>
    %add3A_248 = arith.addf %add3A_247, %exp3A_245 : vector<16xf32>
    %div3A_249 = arith.constant 1.000000e+00 : f32
    %div3A_250 = vector.broadcast %div3A_249 : f32 to vector<16xf32>
    %div3A_251 = arith.divf %div3A_250, %add3A_248 : vector<16xf32>
    %swap3A_252 = arith.constant 80 : index
    %swap3A_253 = tpu.vector_load %arg16[%swap3A_252] {strides = array<i32>} : memref<128xf32, #tpu.memory_space<vmem>>, vector<16xf32>,
    tpu.vector_store %arg16[%swap3A_252], %div3A_251 {strides = array<i32>} : memref<128xf32, #tpu.memory_space<vmem>>, vector<16xf32>,
    %get3A_254 = arith.constant 80 : index
    %get3A_255 = tpu.vector_load %arg14[%get3A_254] {strides = array<i32>} : memref<128xi32, #tpu.memory_space<vmem>>, vector<16xi32>,
    %swap3A_256 = arith.constant 5 : i32
    %swap3A_257 = arith.index_cast %swap3A_256 : i32 to index
    %swap3A_258 = arith.constant 0 : index
    %swap3A_259 = tpu.vector_load %arg20[%swap3A_257, %swap3A_258] {strides = array<i32>} : memref<8x16xi32, #tpu.memory_space<vmem>>, vector<16xi32>,
    tpu.vector_store %arg20[%swap3A_257, %swap3A_258], %get3A_255 {strides = array<i32>} : memref<8x16xi32, #tpu.memory_space<vmem>>, vector<16xi32>,
    %get3A_260 = arith.constant 96 : index
    %get3A_261 = tpu.vector_load %arg16[%get3A_260] {strides = array<i32>} : memref<128xf32, #tpu.memory_space<vmem>>, vector<16xf32>,
    %neg3A_262 = arith.constant 0.000000e+00 : f32
    %neg3A_263 = vector.broadcast %neg3A_262 : f32 to vector<16xf32>
    %neg3A_264 = arith.subf %neg3A_263, %get3A_261 : vector<16xf32>
    %exp3A_265 = math.exp %neg3A_264 : vector<16xf32>
    %add3A_266 = arith.constant 1.000000e+00 : f32
    %add3A_267 = vector.broadcast %add3A_266 : f32 to vector<16xf32>
    %add3A_268 = arith.addf %add3A_267, %exp3A_265 : vector<16xf32>
    %div3A_269 = arith.constant 1.000000e+00 : f32
    %div3A_270 = vector.broadcast %div3A_269 : f32 to vector<16xf32>
    %div3A_271 = arith.divf %div3A_270, %add3A_268 : vector<16xf32>
    %swap3A_272 = arith.constant 96 : index
    %swap3A_273 = tpu.vector_load %arg16[%swap3A_272] {strides = array<i32>} : memref<128xf32, #tpu.memory_space<vmem>>, vector<16xf32>,
    tpu.vector_store %arg16[%swap3A_272], %div3A_271 {strides = array<i32>} : memref<128xf32, #tpu.memory_space<vmem>>, vector<16xf32>,
    %get3A_274 = arith.constant 96 : index
    %get3A_275 = tpu.vector_load %arg14[%get3A_274] {strides = array<i32>} : memref<128xi32, #tpu.memory_space<vmem>>, vector<16xi32>,
    %swap3A_276 = arith.constant 6 : i32
    %swap3A_277 = arith.index_cast %swap3A_276 : i32 to index
    %swap3A_278 = arith.constant 0 : index
    %swap3A_279 = tpu.vector_load %arg20[%swap3A_277, %swap3A_278] {strides = array<i32>} : memref<8x16xi32, #tpu.memory_space<vmem>>, vector<16xi32>,
    tpu.vector_store %arg20[%swap3A_277, %swap3A_278], %get3A_275 {strides = array<i32>} : memref<8x16xi32, #tpu.memory_space<vmem>>, vector<16xi32>,
    %get3A_280 = arith.constant 112 : index
    %get3A_281 = tpu.vector_load %arg16[%get3A_280] {strides = array<i32>} : memref<128xf32, #tpu.memory_space<vmem>>, vector<16xf32>,
    %neg3A_282 = arith.constant 0.000000e+00 : f32
    %neg3A_283 = vector.broadcast %neg3A_282 : f32 to vector<16xf32>
    %neg3A_284 = arith.subf %neg3A_283, %get3A_281 : vector<16xf32>
    %exp3A_285 = math.exp %neg3A_284 : vector<16xf32>
    %add3A_286 = arith.constant 1.000000e+00 : f32
    %add3A_287 = vector.broadcast %add3A_286 : f32 to vector<16xf32>
    %add3A_288 = arith.addf %add3A_287, %exp3A_285 : vector<16xf32>
    %div3A_289 = arith.constant 1.000000e+00 : f32
    %div3A_290 = vector.broadcast %div3A_289 : f32 to vector<16xf32>
    %div3A_291 = arith.divf %div3A_290, %add3A_288 : vector<16xf32>
    %swap3A_292 = arith.constant 112 : index
    %swap3A_293 = tpu.vector_load %arg16[%swap3A_292] {strides = array<i32>} : memref<128xf32, #tpu.memory_space<vmem>>, vector<16xf32>,
    tpu.vector_store %arg16[%swap3A_292], %div3A_291 {strides = array<i32>} : memref<128xf32, #tpu.memory_space<vmem>>, vector<16xf32>,
    %get3A_294 = arith.constant 112 : index
    %get3A_295 = tpu.vector_load %arg14[%get3A_294] {strides = array<i32>} : memref<128xi32, #tpu.memory_space<vmem>>, vector<16xi32>,
    %swap3A_296 = arith.constant 7 : i32
    %swap3A_297 = arith.index_cast %swap3A_296 : i32 to index
    %swap3A_298 = arith.constant 0 : index
    %swap3A_299 = tpu.vector_load %arg20[%swap3A_297, %swap3A_298] {strides = array<i32>} : memref<8x16xi32, #tpu.memory_space<vmem>>, vector<16xi32>,
    tpu.vector_store %arg20[%swap3A_297, %swap3A_298], %get3A_295 {strides = array<i32>} : memref<8x16xi32, #tpu.memory_space<vmem>>, vector<16xi32>,
    "tpu.trace_start"() <{level = 10 : i32, message = "ph_barrier"}> : () -> ()
    %barrier3A = arith.constant 0 : index
    tpu.barrier barrier_id(%barrier3A)
    %dma_start3A_300 = arith.constant 0 : i32
    "tpu.trace_stop"() : () -> ()
    "tpu.trace_start"() <{level = 10 : i32, message = "ph_gather"}> : () -> ()
    %dma_start3A_301 = arith.constant 0 : i32
    %dma_start3A_302 = arith.constant 0 : i32
    %dma_start3A_303 = tpu.memref_slice %arg17[%dma_start3A_301, %dma_start3A_302] : memref<128x128xf32, #tpu.memory_space<vmem>> -> memref<16x128xf32, #tpu.memory_space<vmem>>
    %dma_start3A_304 = arith.constant 0 : i32
    %dma_start3A_305 = tpu.memref_slice %arg20[%dma_start3A_300, %dma_start3A_304] : memref<8x16xi32, #tpu.memory_space<vmem>> -> memref<1x16xi32, #tpu.memory_space<vmem>>
    %dma_start3A_306 = tpu.memref_squeeze %dma_start3A_305 : memref<1x16xi32, #tpu.memory_space<vmem>> -> memref<16xi32, #tpu.memory_space<vmem>>
    %dma_start3A_307 = arith.constant 0 : i32
    %dma_start3A_308 = arith.constant 0 : i32
    %dma_start3A_309 = tpu.memref_slice %arg5[%dma_start3A_307, %dma_start3A_308] : memref<10000x128xf32, #tpu.memory_space<hbm>> -> memref<10000x128xf32, #tpu.memory_space<hbm>>
    tpu.enqueue_indirect_dma source(%dma_start3A_309 : memref<10000x128xf32, #tpu.memory_space<hbm>>) target(%dma_start3A_303 : memref<16x128xf32, #tpu.memory_space<vmem>>) offsets(%dma_start3A_306 : memref<16xi32, #tpu.memory_space<vmem>>) semaphore(%arg23 : memref<!tpu.dma_semaphore, #tpu.memory_space<semaphore_mem>>)
    %dma_start3A_310 = arith.constant 1 : i32
    %dma_start3A_311 = arith.constant 16 : i32
    %dma_start3A_312 = arith.constant 0 : i32
    %dma_start3A_313 = tpu.memref_slice %arg17[%dma_start3A_311, %dma_start3A_312] : memref<128x128xf32, #tpu.memory_space<vmem>> -> memref<16x128xf32, #tpu.memory_space<vmem>>
    %dma_start3A_314 = arith.constant 0 : i32
    %dma_start3A_315 = tpu.memref_slice %arg20[%dma_start3A_310, %dma_start3A_314] : memref<8x16xi32, #tpu.memory_space<vmem>> -> memref<1x16xi32, #tpu.memory_space<vmem>>
    %dma_start3A_316 = tpu.memref_squeeze %dma_start3A_315 : memref<1x16xi32, #tpu.memory_space<vmem>> -> memref<16xi32, #tpu.memory_space<vmem>>
    %dma_start3A_317 = arith.constant 0 : i32
    %dma_start3A_318 = arith.constant 0 : i32
    %dma_start3A_319 = tpu.memref_slice %arg5[%dma_start3A_317, %dma_start3A_318] : memref<10000x128xf32, #tpu.memory_space<hbm>> -> memref<10000x128xf32, #tpu.memory_space<hbm>>
    tpu.enqueue_indirect_dma source(%dma_start3A_319 : memref<10000x128xf32, #tpu.memory_space<hbm>>) target(%dma_start3A_313 : memref<16x128xf32, #tpu.memory_space<vmem>>) offsets(%dma_start3A_316 : memref<16xi32, #tpu.memory_space<vmem>>) semaphore(%arg23 : memref<!tpu.dma_semaphore, #tpu.memory_space<semaphore_mem>>)
    %dma_start3A_320 = arith.constant 2 : i32
    %dma_start3A_321 = arith.constant 32 : i32
    %dma_start3A_322 = arith.constant 0 : i32
    %dma_start3A_323 = tpu.memref_slice %arg17[%dma_start3A_321, %dma_start3A_322] : memref<128x128xf32, #tpu.memory_space<vmem>> -> memref<16x128xf32, #tpu.memory_space<vmem>>
    %dma_start3A_324 = arith.constant 0 : i32
    %dma_start3A_325 = tpu.memref_slice %arg20[%dma_start3A_320, %dma_start3A_324] : memref<8x16xi32, #tpu.memory_space<vmem>> -> memref<1x16xi32, #tpu.memory_space<vmem>>
    %dma_start3A_326 = tpu.memref_squeeze %dma_start3A_325 : memref<1x16xi32, #tpu.memory_space<vmem>> -> memref<16xi32, #tpu.memory_space<vmem>>
    %dma_start3A_327 = arith.constant 0 : i32
    %dma_start3A_328 = arith.constant 0 : i32
    %dma_start3A_329 = tpu.memref_slice %arg5[%dma_start3A_327, %dma_start3A_328] : memref<10000x128xf32, #tpu.memory_space<hbm>> -> memref<10000x128xf32, #tpu.memory_space<hbm>>
    tpu.enqueue_indirect_dma source(%dma_start3A_329 : memref<10000x128xf32, #tpu.memory_space<hbm>>) target(%dma_start3A_323 : memref<16x128xf32, #tpu.memory_space<vmem>>) offsets(%dma_start3A_326 : memref<16xi32, #tpu.memory_space<vmem>>) semaphore(%arg23 : memref<!tpu.dma_semaphore, #tpu.memory_space<semaphore_mem>>)
    %dma_start3A_330 = arith.constant 3 : i32
    %dma_start3A_331 = arith.constant 48 : i32
    %dma_start3A_332 = arith.constant 0 : i32
    %dma_start3A_333 = tpu.memref_slice %arg17[%dma_start3A_331, %dma_start3A_332] : memref<128x128xf32, #tpu.memory_space<vmem>> -> memref<16x128xf32, #tpu.memory_space<vmem>>
    %dma_start3A_334 = arith.constant 0 : i32
    %dma_start3A_335 = tpu.memref_slice %arg20[%dma_start3A_330, %dma_start3A_334] : memref<8x16xi32, #tpu.memory_space<vmem>> -> memref<1x16xi32, #tpu.memory_space<vmem>>
    %dma_start3A_336 = tpu.memref_squeeze %dma_start3A_335 : memref<1x16xi32, #tpu.memory_space<vmem>> -> memref<16xi32, #tpu.memory_space<vmem>>
    %dma_start3A_337 = arith.constant 0 : i32
    %dma_start3A_338 = arith.constant 0 : i32
    %dma_start3A_339 = tpu.memref_slice %arg5[%dma_start3A_337, %dma_start3A_338] : memref<10000x128xf32, #tpu.memory_space<hbm>> -> memref<10000x128xf32, #tpu.memory_space<hbm>>
    tpu.enqueue_indirect_dma source(%dma_start3A_339 : memref<10000x128xf32, #tpu.memory_space<hbm>>) target(%dma_start3A_333 : memref<16x128xf32, #tpu.memory_space<vmem>>) offsets(%dma_start3A_336 : memref<16xi32, #tpu.memory_space<vmem>>) semaphore(%arg23 : memref<!tpu.dma_semaphore, #tpu.memory_space<semaphore_mem>>)
    %dma_start3A_340 = arith.constant 4 : i32
    %dma_start3A_341 = arith.constant 64 : i32
    %dma_start3A_342 = arith.constant 0 : i32
    %dma_start3A_343 = tpu.memref_slice %arg17[%dma_start3A_341, %dma_start3A_342] : memref<128x128xf32, #tpu.memory_space<vmem>> -> memref<16x128xf32, #tpu.memory_space<vmem>>
    %dma_start3A_344 = arith.constant 0 : i32
    %dma_start3A_345 = tpu.memref_slice %arg20[%dma_start3A_340, %dma_start3A_344] : memref<8x16xi32, #tpu.memory_space<vmem>> -> memref<1x16xi32, #tpu.memory_space<vmem>>
    %dma_start3A_346 = tpu.memref_squeeze %dma_start3A_345 : memref<1x16xi32, #tpu.memory_space<vmem>> -> memref<16xi32, #tpu.memory_space<vmem>>
    %dma_start3A_347 = arith.constant 0 : i32
    %dma_start3A_348 = arith.constant 0 : i32
    %dma_start3A_349 = tpu.memref_slice %arg5[%dma_start3A_347, %dma_start3A_348] : memref<10000x128xf32, #tpu.memory_space<hbm>> -> memref<10000x128xf32, #tpu.memory_space<hbm>>
    tpu.enqueue_indirect_dma source(%dma_start3A_349 : memref<10000x128xf32, #tpu.memory_space<hbm>>) target(%dma_start3A_343 : memref<16x128xf32, #tpu.memory_space<vmem>>) offsets(%dma_start3A_346 : memref<16xi32, #tpu.memory_space<vmem>>) semaphore(%arg23 : memref<!tpu.dma_semaphore, #tpu.memory_space<semaphore_mem>>)
    %dma_start3A_350 = arith.constant 5 : i32
    %dma_start3A_351 = arith.constant 80 : i32
    %dma_start3A_352 = arith.constant 0 : i32
    %dma_start3A_353 = tpu.memref_slice %arg17[%dma_start3A_351, %dma_start3A_352] : memref<128x128xf32, #tpu.memory_space<vmem>> -> memref<16x128xf32, #tpu.memory_space<vmem>>
    %dma_start3A_354 = arith.constant 0 : i32
    %dma_start3A_355 = tpu.memref_slice %arg20[%dma_start3A_350, %dma_start3A_354] : memref<8x16xi32, #tpu.memory_space<vmem>> -> memref<1x16xi32, #tpu.memory_space<vmem>>
    %dma_start3A_356 = tpu.memref_squeeze %dma_start3A_355 : memref<1x16xi32, #tpu.memory_space<vmem>> -> memref<16xi32, #tpu.memory_space<vmem>>
    %dma_start3A_357 = arith.constant 0 : i32
    %dma_start3A_358 = arith.constant 0 : i32
    %dma_start3A_359 = tpu.memref_slice %arg5[%dma_start3A_357, %dma_start3A_358] : memref<10000x128xf32, #tpu.memory_space<hbm>> -> memref<10000x128xf32, #tpu.memory_space<hbm>>
    tpu.enqueue_indirect_dma source(%dma_start3A_359 : memref<10000x128xf32, #tpu.memory_space<hbm>>) target(%dma_start3A_353 : memref<16x128xf32, #tpu.memory_space<vmem>>) offsets(%dma_start3A_356 : memref<16xi32, #tpu.memory_space<vmem>>) semaphore(%arg23 : memref<!tpu.dma_semaphore, #tpu.memory_space<semaphore_mem>>)
    %dma_start3A_360 = arith.constant 6 : i32
    %dma_start3A_361 = arith.constant 96 : i32
    %dma_start3A_362 = arith.constant 0 : i32
    %dma_start3A_363 = tpu.memref_slice %arg17[%dma_start3A_361, %dma_start3A_362] : memref<128x128xf32, #tpu.memory_space<vmem>> -> memref<16x128xf32, #tpu.memory_space<vmem>>
    %dma_start3A_364 = arith.constant 0 : i32
    %dma_start3A_365 = tpu.memref_slice %arg20[%dma_start3A_360, %dma_start3A_364] : memref<8x16xi32, #tpu.memory_space<vmem>> -> memref<1x16xi32, #tpu.memory_space<vmem>>
    %dma_start3A_366 = tpu.memref_squeeze %dma_start3A_365 : memref<1x16xi32, #tpu.memory_space<vmem>> -> memref<16xi32, #tpu.memory_space<vmem>>
    %dma_start3A_367 = arith.constant 0 : i32
    %dma_start3A_368 = arith.constant 0 : i32
    %dma_start3A_369 = tpu.memref_slice %arg5[%dma_start3A_367, %dma_start3A_368] : memref<10000x128xf32, #tpu.memory_space<hbm>> -> memref<10000x128xf32, #tpu.memory_space<hbm>>
    tpu.enqueue_indirect_dma source(%dma_start3A_369 : memref<10000x128xf32, #tpu.memory_space<hbm>>) target(%dma_start3A_363 : memref<16x128xf32, #tpu.memory_space<vmem>>) offsets(%dma_start3A_366 : memref<16xi32, #tpu.memory_space<vmem>>) semaphore(%arg23 : memref<!tpu.dma_semaphore, #tpu.memory_space<semaphore_mem>>)
    %dma_start3A_370 = arith.constant 7 : i32
    %dma_start3A_371 = arith.constant 112 : i32
    %dma_start3A_372 = arith.constant 0 : i32
    %dma_start3A_373 = tpu.memref_slice %arg17[%dma_start3A_371, %dma_start3A_372] : memref<128x128xf32, #tpu.memory_space<vmem>> -> memref<16x128xf32, #tpu.memory_space<vmem>>
    %dma_start3A_374 = arith.constant 0 : i32
    %dma_start3A_375 = tpu.memref_slice %arg20[%dma_start3A_370, %dma_start3A_374] : memref<8x16xi32, #tpu.memory_space<vmem>> -> memref<1x16xi32, #tpu.memory_space<vmem>>
    %dma_start3A_376 = tpu.memref_squeeze %dma_start3A_375 : memref<1x16xi32, #tpu.memory_space<vmem>> -> memref<16xi32, #tpu.memory_space<vmem>>
    %dma_start3A_377 = arith.constant 0 : i32
    %dma_start3A_378 = arith.constant 0 : i32
    %dma_start3A_379 = tpu.memref_slice %arg5[%dma_start3A_377, %dma_start3A_378] : memref<10000x128xf32, #tpu.memory_space<hbm>> -> memref<10000x128xf32, #tpu.memory_space<hbm>>
    tpu.enqueue_indirect_dma source(%dma_start3A_379 : memref<10000x128xf32, #tpu.memory_space<hbm>>) target(%dma_start3A_373 : memref<16x128xf32, #tpu.memory_space<vmem>>) offsets(%dma_start3A_376 : memref<16xi32, #tpu.memory_space<vmem>>) semaphore(%arg23 : memref<!tpu.dma_semaphore, #tpu.memory_space<semaphore_mem>>)
    %dma_wait3A_380 = arith.constant 0 : i32
    %dma_wait3A_381 = arith.constant 0 : i32
    %dma_wait3A_382 = arith.constant 0 : i32
    %dma_wait3A_383 = tpu.memref_slice %arg17[%dma_wait3A_381, %dma_wait3A_382] : memref<128x128xf32, #tpu.memory_space<vmem>> -> memref<16x128xf32, #tpu.memory_space<vmem>>
    %dma_wait3A_384 = arith.constant 0 : i32
    %dma_wait3A_385 = tpu.memref_slice %arg20[%dma_wait3A_380, %dma_wait3A_384] : memref<8x16xi32, #tpu.memory_space<vmem>> -> memref<1x16xi32, #tpu.memory_space<vmem>>
    %dma_wait3A_386 = tpu.memref_squeeze %dma_wait3A_385 : memref<1x16xi32, #tpu.memory_space<vmem>> -> memref<16xi32, #tpu.memory_space<vmem>>
    %dma_wait3A_387 = arith.constant 0 : i32
    %dma_wait3A_388 = arith.constant 0 : i32
    %dma_wait3A_389 = tpu.memref_slice %arg5[%dma_wait3A_387, %dma_wait3A_388] : memref<10000x128xf32, #tpu.memory_space<hbm>> -> memref<10000x128xf32, #tpu.memory_space<hbm>>
    tpu.wait_indirect_dma semaphore(%arg23 : memref<!tpu.dma_semaphore, #tpu.memory_space<semaphore_mem>>) src(%dma_wait3A_389 : memref<10000x128xf32, #tpu.memory_space<hbm>>) dst(%dma_wait3A_383 : memref<16x128xf32, #tpu.memory_space<vmem>>)
    %dma_wait3A_390 = arith.constant 1 : i32
    %dma_wait3A_391 = arith.constant 16 : i32
    %dma_wait3A_392 = arith.constant 0 : i32
    %dma_wait3A_393 = tpu.memref_slice %arg17[%dma_wait3A_391, %dma_wait3A_392] : memref<128x128xf32, #tpu.memory_space<vmem>> -> memref<16x128xf32, #tpu.memory_space<vmem>>
    %dma_wait3A_394 = arith.constant 0 : i32
    %dma_wait3A_395 = tpu.memref_slice %arg20[%dma_wait3A_390, %dma_wait3A_394] : memref<8x16xi32, #tpu.memory_space<vmem>> -> memref<1x16xi32, #tpu.memory_space<vmem>>
    %dma_wait3A_396 = tpu.memref_squeeze %dma_wait3A_395 : memref<1x16xi32, #tpu.memory_space<vmem>> -> memref<16xi32, #tpu.memory_space<vmem>>
    %dma_wait3A_397 = arith.constant 0 : i32
    %dma_wait3A_398 = arith.constant 0 : i32
    %dma_wait3A_399 = tpu.memref_slice %arg5[%dma_wait3A_397, %dma_wait3A_398] : memref<10000x128xf32, #tpu.memory_space<hbm>> -> memref<10000x128xf32, #tpu.memory_space<hbm>>
    tpu.wait_indirect_dma semaphore(%arg23 : memref<!tpu.dma_semaphore, #tpu.memory_space<semaphore_mem>>) src(%dma_wait3A_399 : memref<10000x128xf32, #tpu.memory_space<hbm>>) dst(%dma_wait3A_393 : memref<16x128xf32, #tpu.memory_space<vmem>>)
    %dma_wait3A_400 = arith.constant 2 : i32
    %dma_wait3A_401 = arith.constant 32 : i32
    %dma_wait3A_402 = arith.constant 0 : i32
    %dma_wait3A_403 = tpu.memref_slice %arg17[%dma_wait3A_401, %dma_wait3A_402] : memref<128x128xf32, #tpu.memory_space<vmem>> -> memref<16x128xf32, #tpu.memory_space<vmem>>
    %dma_wait3A_404 = arith.constant 0 : i32
    %dma_wait3A_405 = tpu.memref_slice %arg20[%dma_wait3A_400, %dma_wait3A_404] : memref<8x16xi32, #tpu.memory_space<vmem>> -> memref<1x16xi32, #tpu.memory_space<vmem>>
    %dma_wait3A_406 = tpu.memref_squeeze %dma_wait3A_405 : memref<1x16xi32, #tpu.memory_space<vmem>> -> memref<16xi32, #tpu.memory_space<vmem>>
    %dma_wait3A_407 = arith.constant 0 : i32
    %dma_wait3A_408 = arith.constant 0 : i32
    %dma_wait3A_409 = tpu.memref_slice %arg5[%dma_wait3A_407, %dma_wait3A_408] : memref<10000x128xf32, #tpu.memory_space<hbm>> -> memref<10000x128xf32, #tpu.memory_space<hbm>>
    tpu.wait_indirect_dma semaphore(%arg23 : memref<!tpu.dma_semaphore, #tpu.memory_space<semaphore_mem>>) src(%dma_wait3A_409 : memref<10000x128xf32, #tpu.memory_space<hbm>>) dst(%dma_wait3A_403 : memref<16x128xf32, #tpu.memory_space<vmem>>)
    %dma_wait3A_410 = arith.constant 3 : i32
    %dma_wait3A_411 = arith.constant 48 : i32
    %dma_wait3A_412 = arith.constant 0 : i32
    %dma_wait3A_413 = tpu.memref_slice %arg17[%dma_wait3A_411, %dma_wait3A_412] : memref<128x128xf32, #tpu.memory_space<vmem>> -> memref<16x128xf32, #tpu.memory_space<vmem>>
    %dma_wait3A_414 = arith.constant 0 : i32
    %dma_wait3A_415 = tpu.memref_slice %arg20[%dma_wait3A_410, %dma_wait3A_414] : memref<8x16xi32, #tpu.memory_space<vmem>> -> memref<1x16xi32, #tpu.memory_space<vmem>>
    %dma_wait3A_416 = tpu.memref_squeeze %dma_wait3A_415 : memref<1x16xi32, #tpu.memory_space<vmem>> -> memref<16xi32, #tpu.memory_space<vmem>>
    %dma_wait3A_417 = arith.constant 0 : i32
    %dma_wait3A_418 = arith.constant 0 : i32
    %dma_wait3A_419 = tpu.memref_slice %arg5[%dma_wait3A_417, %dma_wait3A_418] : memref<10000x128xf32, #tpu.memory_space<hbm>> -> memref<10000x128xf32, #tpu.memory_space<hbm>>
    tpu.wait_indirect_dma semaphore(%arg23 : memref<!tpu.dma_semaphore, #tpu.memory_space<semaphore_mem>>) src(%dma_wait3A_419 : memref<10000x128xf32, #tpu.memory_space<hbm>>) dst(%dma_wait3A_413 : memref<16x128xf32, #tpu.memory_space<vmem>>)
    %dma_wait3A_420 = arith.constant 4 : i32
    %dma_wait3A_421 = arith.constant 64 : i32
    %dma_wait3A_422 = arith.constant 0 : i32
    %dma_wait3A_423 = tpu.memref_slice %arg17[%dma_wait3A_421, %dma_wait3A_422] : memref<128x128xf32, #tpu.memory_space<vmem>> -> memref<16x128xf32, #tpu.memory_space<vmem>>
    %dma_wait3A_424 = arith.constant 0 : i32
    %dma_wait3A_425 = tpu.memref_slice %arg20[%dma_wait3A_420, %dma_wait3A_424] : memref<8x16xi32, #tpu.memory_space<vmem>> -> memref<1x16xi32, #tpu.memory_space<vmem>>
    %dma_wait3A_426 = tpu.memref_squeeze %dma_wait3A_425 : memref<1x16xi32, #tpu.memory_space<vmem>> -> memref<16xi32, #tpu.memory_space<vmem>>
    %dma_wait3A_427 = arith.constant 0 : i32
    %dma_wait3A_428 = arith.constant 0 : i32
    %dma_wait3A_429 = tpu.memref_slice %arg5[%dma_wait3A_427, %dma_wait3A_428] : memref<10000x128xf32, #tpu.memory_space<hbm>> -> memref<10000x128xf32, #tpu.memory_space<hbm>>
    tpu.wait_indirect_dma semaphore(%arg23 : memref<!tpu.dma_semaphore, #tpu.memory_space<semaphore_mem>>) src(%dma_wait3A_429 : memref<10000x128xf32, #tpu.memory_space<hbm>>) dst(%dma_wait3A_423 : memref<16x128xf32, #tpu.memory_space<vmem>>)
    %dma_wait3A_430 = arith.constant 5 : i32
    %dma_wait3A_431 = arith.constant 80 : i32
    %dma_wait3A_432 = arith.constant 0 : i32
    %dma_wait3A_433 = tpu.memref_slice %arg17[%dma_wait3A_431, %dma_wait3A_432] : memref<128x128xf32, #tpu.memory_space<vmem>> -> memref<16x128xf32, #tpu.memory_space<vmem>>
    %dma_wait3A_434 = arith.constant 0 : i32
    %dma_wait3A_435 = tpu.memref_slice %arg20[%dma_wait3A_430, %dma_wait3A_434] : memref<8x16xi32, #tpu.memory_space<vmem>> -> memref<1x16xi32, #tpu.memory_space<vmem>>
    %dma_wait3A_436 = tpu.memref_squeeze %dma_wait3A_435 : memref<1x16xi32, #tpu.memory_space<vmem>> -> memref<16xi32, #tpu.memory_space<vmem>>
    %dma_wait3A_437 = arith.constant 0 : i32
    %dma_wait3A_438 = arith.constant 0 : i32
    %dma_wait3A_439 = tpu.memref_slice %arg5[%dma_wait3A_437, %dma_wait3A_438] : memref<10000x128xf32, #tpu.memory_space<hbm>> -> memref<10000x128xf32, #tpu.memory_space<hbm>>
    tpu.wait_indirect_dma semaphore(%arg23 : memref<!tpu.dma_semaphore, #tpu.memory_space<semaphore_mem>>) src(%dma_wait3A_439 : memref<10000x128xf32, #tpu.memory_space<hbm>>) dst(%dma_wait3A_433 : memref<16x128xf32, #tpu.memory_space<vmem>>)
    %dma_wait3A_440 = arith.constant 6 : i32
    %dma_wait3A_441 = arith.constant 96 : i32
    %dma_wait3A_442 = arith.constant 0 : i32
    %dma_wait3A_443 = tpu.memref_slice %arg17[%dma_wait3A_441, %dma_wait3A_442] : memref<128x128xf32, #tpu.memory_space<vmem>> -> memref<16x128xf32, #tpu.memory_space<vmem>>
    %dma_wait3A_444 = arith.constant 0 : i32
    %dma_wait3A_445 = tpu.memref_slice %arg20[%dma_wait3A_440, %dma_wait3A_444] : memref<8x16xi32, #tpu.memory_space<vmem>> -> memref<1x16xi32, #tpu.memory_space<vmem>>
    %dma_wait3A_446 = tpu.memref_squeeze %dma_wait3A_445 : memref<1x16xi32, #tpu.memory_space<vmem>> -> memref<16xi32, #tpu.memory_space<vmem>>
    %dma_wait3A_447 = arith.constant 0 : i32
    %dma_wait3A_448 = arith.constant 0 : i32
    %dma_wait3A_449 = tpu.memref_slice %arg5[%dma_wait3A_447, %dma_wait3A_448] : memref<10000x128xf32, #tpu.memory_space<hbm>> -> memref<10000x128xf32, #tpu.memory_space<hbm>>
    tpu.wait_indirect_dma semaphore(%arg23 : memref<!tpu.dma_semaphore, #tpu.memory_space<semaphore_mem>>) src(%dma_wait3A_449 : memref<10000x128xf32, #tpu.memory_space<hbm>>) dst(%dma_wait3A_443 : memref<16x128xf32, #tpu.memory_space<vmem>>)
    %dma_wait3A_450 = arith.constant 7 : i32
    %dma_wait3A_451 = arith.constant 112 : i32
    %dma_wait3A_452 = arith.constant 0 : i32
    %dma_wait3A_453 = tpu.memref_slice %arg17[%dma_wait3A_451, %dma_wait3A_452] : memref<128x128xf32, #tpu.memory_space<vmem>> -> memref<16x128xf32, #tpu.memory_space<vmem>>
    %dma_wait3A_454 = arith.constant 0 : i32
    %dma_wait3A_455 = tpu.memref_slice %arg20[%dma_wait3A_450, %dma_wait3A_454] : memref<8x16xi32, #tpu.memory_space<vmem>> -> memref<1x16xi32, #tpu.memory_space<vmem>>
    %dma_wait3A_456 = tpu.memref_squeeze %dma_wait3A_455 : memref<1x16xi32, #tpu.memory_space<vmem>> -> memref<16xi32, #tpu.memory_space<vmem>>
    %dma_wait3A_457 = arith.constant 0 : i32
    %dma_wait3A_458 = arith.constant 0 : i32
    %dma_wait3A_459 = tpu.memref_slice %arg5[%dma_wait3A_457, %dma_wait3A_458] : memref<10000x128xf32, #tpu.memory_space<hbm>> -> memref<10000x128xf32, #tpu.memory_space<hbm>>
    tpu.wait_indirect_dma semaphore(%arg23 : memref<!tpu.dma_semaphore, #tpu.memory_space<semaphore_mem>>) src(%dma_wait3A_459 : memref<10000x128xf32, #tpu.memory_space<hbm>>) dst(%dma_wait3A_453 : memref<16x128xf32, #tpu.memory_space<vmem>>)
    "tpu.trace_stop"() : () -> ()
    "tpu.trace_start"() <{level = 10 : i32, message = "ph_scatB"}> : () -> ()
    "tpu.region"() ({
      %run_scoped3A = tpu.sem_alloc : memref<!tpu.dma_semaphore, #tpu.memory_space<semaphore_mem>>
      %dma_start3A_480 = arith.constant 0 : i32
      %dma_start3A_481 = arith.constant 0 : i32
      %dma_start3A_482 = tpu.memref_slice %arg21[%dma_start3A_480, %dma_start3A_481] : memref<640x128xf32, #tpu.memory_space<vmem_shared>> -> memref<640x128xf32, #tpu.memory_space<vmem_shared>>
      tpu.enqueue_indirect_dma source(%arg17 : memref<128x128xf32, #tpu.memory_space<vmem>>) target(%dma_start3A_482 : memref<640x128xf32, #tpu.memory_space<vmem_shared>>) offsets(%arg15 : memref<128xi32, #tpu.memory_space<vmem>>) semaphore(%run_scoped3A : memref<!tpu.dma_semaphore, #tpu.memory_space<semaphore_mem>>) {add = true}
      %dma_wait3A_483 = arith.constant 0 : i32
      %dma_wait3A_484 = arith.constant 0 : i32
      %dma_wait3A_485 = tpu.memref_slice %arg21[%dma_wait3A_483, %dma_wait3A_484] : memref<640x128xf32, #tpu.memory_space<vmem_shared>> -> memref<640x128xf32, #tpu.memory_space<vmem_shared>>
      tpu.wait_indirect_dma semaphore(%run_scoped3A : memref<!tpu.dma_semaphore, #tpu.memory_space<semaphore_mem>>) src(%arg17 : memref<128x128xf32, #tpu.memory_space<vmem>>) dst(%dma_wait3A_485 : memref<640x128xf32, #tpu.memory_space<vmem_shared>>)
      tpu.yield
    }) : () -> ()
    "tpu.trace_stop"() : () -> ()
    "tpu.trace_start"() <{level = 10 : i32, message = "ph_scale"}> : () -> ()
    %scan3A_460 = arith.constant 0 : i32
    %scan3A_461 = arith.constant 0 : i32
    %scan3A_462 = arith.constant 128 : i32
    %scan3A_463 = arith.addi %scan3A_461, %scan3A_462 : i32
    %scan3A_464 = arith.constant 1 : i32
    %scan3A_465 = scf.for %scan3A_480 = %scan3A_461 to %scan3A_463 step %scan3A_464 iter_args(%scan3A_481 = %scan3A_460) -> (i32)  : i32 {
      %jit3A = arith.constant 16 : i32
      %div3A_482 = arith.divsi %scan3A_480, %jit3A : i32
      %sign3A = arith.constant 0 : i32
      %sign3A_483 = arith.cmpi sgt, %scan3A_480, %sign3A : i32
      %sign3A_484 = arith.extui %sign3A_483 : i1 to i32
      %sign3A_485 = arith.constant 0 : i32
      %sign3A_486 = arith.cmpi slt, %scan3A_480, %sign3A_485 : i32
      %sign3A_487 = arith.extui %sign3A_486 : i1 to i32
      %sign3A_488 = arith.subi %sign3A_484, %sign3A_487 : i32
      %sign3A_489 = arith.constant 0 : i32
      %sign3A_490 = arith.cmpi sgt, %jit3A, %sign3A_489 : i32
      %sign3A_491 = arith.extui %sign3A_490 : i1 to i32
      %sign3A_492 = arith.constant 0 : i32
      %sign3A_493 = arith.cmpi slt, %jit3A, %sign3A_492 : i32
      %sign3A_494 = arith.extui %sign3A_493 : i1 to i32
      %sign3A_495 = arith.subi %sign3A_491, %sign3A_494 : i32
      %ne3A = arith.cmpi ne, %sign3A_488, %sign3A_495 : i32
      %rem3A = arith.remsi %scan3A_480, %jit3A : i32
      %ne3A_496 = arith.constant 0 : i32
      %ne3A_497 = arith.cmpi ne, %rem3A, %ne3A_496 : i32
      %and3A_498 = arith.andi %ne3A, %ne3A_497 : i1
      %sub3A = arith.constant 1 : i32
      %sub3A_499 = arith.subi %div3A_482, %sub3A : i32
      %select_n3A = arith.select %and3A_498, %sub3A_499, %div3A_482 : i32
      %mul3A_500 = arith.constant 16 : i32
      %mul3A_501 = arith.muli %select_n3A, %mul3A_500 : i32
      %sub3A_502 = arith.subi %scan3A_480, %mul3A_501 : i32
      %mul3A_503 = arith.constant 16 : i32
      %mul3A_504 = arith.muli %select_n3A, %mul3A_503 : i32
      %get3A_505 = arith.index_cast %mul3A_504 : i32 to index
      %get3A_506 = tpu.vector_load %arg16[%get3A_505] {strides = array<i32>} : memref<128xf32, #tpu.memory_space<vmem>>, vector<16xf32>,
      %eq3A_507 = vector.broadcast %sub3A_502 : i32 to vector<16xi32>
      %eq3A_508 = arith.cmpi eq, %iota3A, %eq3A_507 : vector<16xi32>
      %jit3A_509 = arith.constant 0.000000e+00 : f32
      %broadcast_in_dim3A_510 = vector.broadcast %jit3A_509 : f32 to vector<16xf32>
      %select_n3A_511 = arith.select %eq3A_508, %get3A_506, %broadcast_in_dim3A_510 : vector<16xi1>, vector<16xf32>
      %reduce_sum3A = arith.constant true
      %reduce_sum3A_512 = vector.broadcast %reduce_sum3A : i1 to vector<16xi1>
      %reduce_sum3A_513 = tpu.scan <sum>, %select_n3A_511 masked %reduce_sum3A_512 : vector<16xf32>, vector<16xi1> -> vector<16xf32>
      %reduce_sum3A_514 = vector.extract %reduce_sum3A_513[15] : f32 from vector<16xf32>
      %get3A_515 = arith.index_cast %scan3A_480 : i32 to index
      %get3A_516 = arith.constant 0 : index
      %get3A_517 = tpu.vector_load %arg17[%get3A_515, %get3A_516] {strides = array<i32>} : memref<128x128xf32, #tpu.memory_space<vmem>>, vector<16xf32>,
      %mul3A_518 = vector.broadcast %reduce_sum3A_514 : f32 to vector<16xf32>
      %mul3A_519 = arith.mulf %get3A_517, %mul3A_518 : vector<16xf32>
      %swap3A_520 = arith.index_cast %scan3A_480 : i32 to index
      %swap3A_521 = arith.constant 0 : index
      %swap3A_522 = tpu.vector_load %arg17[%swap3A_520, %swap3A_521] {strides = array<i32>} : memref<128x128xf32, #tpu.memory_space<vmem>>, vector<16xf32>,
      tpu.vector_store %arg17[%swap3A_520, %swap3A_521], %mul3A_519 {strides = array<i32>} : memref<128x128xf32, #tpu.memory_space<vmem>>, vector<16xf32>,
      %get3A_523 = arith.index_cast %scan3A_480 : i32 to index
      %get3A_524 = arith.constant 16 : index
      %get3A_525 = tpu.vector_load %arg17[%get3A_523, %get3A_524] {strides = array<i32>} : memref<128x128xf32, #tpu.memory_space<vmem>>, vector<16xf32>,
      %mul3A_526 = vector.broadcast %reduce_sum3A_514 : f32 to vector<16xf32>
      %mul3A_527 = arith.mulf %get3A_525, %mul3A_526 : vector<16xf32>
      %swap3A_528 = arith.index_cast %scan3A_480 : i32 to index
      %swap3A_529 = arith.constant 16 : index
      %swap3A_530 = tpu.vector_load %arg17[%swap3A_528, %swap3A_529] {strides = array<i32>} : memref<128x128xf32, #tpu.memory_space<vmem>>, vector<16xf32>,
      tpu.vector_store %arg17[%swap3A_528, %swap3A_529], %mul3A_527 {strides = array<i32>} : memref<128x128xf32, #tpu.memory_space<vmem>>, vector<16xf32>,
      %get3A_531 = arith.index_cast %scan3A_480 : i32 to index
      %get3A_532 = arith.constant 32 : index
      %get3A_533 = tpu.vector_load %arg17[%get3A_531, %get3A_532] {strides = array<i32>} : memref<128x128xf32, #tpu.memory_space<vmem>>, vector<16xf32>,
      %mul3A_534 = vector.broadcast %reduce_sum3A_514 : f32 to vector<16xf32>
      %mul3A_535 = arith.mulf %get3A_533, %mul3A_534 : vector<16xf32>
      %swap3A_536 = arith.index_cast %scan3A_480 : i32 to index
      %swap3A_537 = arith.constant 32 : index
      %swap3A_538 = tpu.vector_load %arg17[%swap3A_536, %swap3A_537] {strides = array<i32>} : memref<128x128xf32, #tpu.memory_space<vmem>>, vector<16xf32>,
      tpu.vector_store %arg17[%swap3A_536, %swap3A_537], %mul3A_535 {strides = array<i32>} : memref<128x128xf32, #tpu.memory_space<vmem>>, vector<16xf32>,
      %get3A_539 = arith.index_cast %scan3A_480 : i32 to index
      %get3A_540 = arith.constant 48 : index
      %get3A_541 = tpu.vector_load %arg17[%get3A_539, %get3A_540] {strides = array<i32>} : memref<128x128xf32, #tpu.memory_space<vmem>>, vector<16xf32>,
      %mul3A_542 = vector.broadcast %reduce_sum3A_514 : f32 to vector<16xf32>
      %mul3A_543 = arith.mulf %get3A_541, %mul3A_542 : vector<16xf32>
      %swap3A_544 = arith.index_cast %scan3A_480 : i32 to index
      %swap3A_545 = arith.constant 48 : index
      %swap3A_546 = tpu.vector_load %arg17[%swap3A_544, %swap3A_545] {strides = array<i32>} : memref<128x128xf32, #tpu.memory_space<vmem>>, vector<16xf32>,
      tpu.vector_store %arg17[%swap3A_544, %swap3A_545], %mul3A_543 {strides = array<i32>} : memref<128x128xf32, #tpu.memory_space<vmem>>, vector<16xf32>,
      %get3A_547 = arith.index_cast %scan3A_480 : i32 to index
      %get3A_548 = arith.constant 64 : index
      %get3A_549 = tpu.vector_load %arg17[%get3A_547, %get3A_548] {strides = array<i32>} : memref<128x128xf32, #tpu.memory_space<vmem>>, vector<16xf32>,
      %mul3A_550 = vector.broadcast %reduce_sum3A_514 : f32 to vector<16xf32>
      %mul3A_551 = arith.mulf %get3A_549, %mul3A_550 : vector<16xf32>
      %swap3A_552 = arith.index_cast %scan3A_480 : i32 to index
      %swap3A_553 = arith.constant 64 : index
      %swap3A_554 = tpu.vector_load %arg17[%swap3A_552, %swap3A_553] {strides = array<i32>} : memref<128x128xf32, #tpu.memory_space<vmem>>, vector<16xf32>,
      tpu.vector_store %arg17[%swap3A_552, %swap3A_553], %mul3A_551 {strides = array<i32>} : memref<128x128xf32, #tpu.memory_space<vmem>>, vector<16xf32>,
      %get3A_555 = arith.index_cast %scan3A_480 : i32 to index
      %get3A_556 = arith.constant 80 : index
      %get3A_557 = tpu.vector_load %arg17[%get3A_555, %get3A_556] {strides = array<i32>} : memref<128x128xf32, #tpu.memory_space<vmem>>, vector<16xf32>,
      %mul3A_558 = vector.broadcast %reduce_sum3A_514 : f32 to vector<16xf32>
      %mul3A_559 = arith.mulf %get3A_557, %mul3A_558 : vector<16xf32>
      %swap3A_560 = arith.index_cast %scan3A_480 : i32 to index
      %swap3A_561 = arith.constant 80 : index
      %swap3A_562 = tpu.vector_load %arg17[%swap3A_560, %swap3A_561] {strides = array<i32>} : memref<128x128xf32, #tpu.memory_space<vmem>>, vector<16xf32>,
      tpu.vector_store %arg17[%swap3A_560, %swap3A_561], %mul3A_559 {strides = array<i32>} : memref<128x128xf32, #tpu.memory_space<vmem>>, vector<16xf32>,
      %get3A_563 = arith.index_cast %scan3A_480 : i32 to index
      %get3A_564 = arith.constant 96 : index
      %get3A_565 = tpu.vector_load %arg17[%get3A_563, %get3A_564] {strides = array<i32>} : memref<128x128xf32, #tpu.memory_space<vmem>>, vector<16xf32>,
      %mul3A_566 = vector.broadcast %reduce_sum3A_514 : f32 to vector<16xf32>
      %mul3A_567 = arith.mulf %get3A_565, %mul3A_566 : vector<16xf32>
      %swap3A_568 = arith.index_cast %scan3A_480 : i32 to index
      %swap3A_569 = arith.constant 96 : index
      %swap3A_570 = tpu.vector_load %arg17[%swap3A_568, %swap3A_569] {strides = array<i32>} : memref<128x128xf32, #tpu.memory_space<vmem>>, vector<16xf32>,
      tpu.vector_store %arg17[%swap3A_568, %swap3A_569], %mul3A_567 {strides = array<i32>} : memref<128x128xf32, #tpu.memory_space<vmem>>, vector<16xf32>,
      %get3A_571 = arith.index_cast %scan3A_480 : i32 to index
      %get3A_572 = arith.constant 112 : index
      %get3A_573 = tpu.vector_load %arg17[%get3A_571, %get3A_572] {strides = array<i32>} : memref<128x128xf32, #tpu.memory_space<vmem>>, vector<16xf32>,
      %mul3A_574 = vector.broadcast %reduce_sum3A_514 : f32 to vector<16xf32>
      %mul3A_575 = arith.mulf %get3A_573, %mul3A_574 : vector<16xf32>
      %swap3A_576 = arith.index_cast %scan3A_480 : i32 to index
      %swap3A_577 = arith.constant 112 : index
      %swap3A_578 = tpu.vector_load %arg17[%swap3A_576, %swap3A_577] {strides = array<i32>} : memref<128x128xf32, #tpu.memory_space<vmem>>, vector<16xf32>,
      tpu.vector_store %arg17[%swap3A_576, %swap3A_577], %mul3A_575 {strides = array<i32>} : memref<128x128xf32, #tpu.memory_space<vmem>>, vector<16xf32>,
      %scan3A_579 = arith.constant 0 : i32
      scf.yield %scan3A_579 : i32
    }
    %scan3A_466 = arith.constant 128 : i32
    "tpu.trace_stop"() : () -> ()
    "tpu.trace_start"() <{level = 10 : i32, message = "ph_scatM"}> : () -> ()
    "tpu.region"() ({
      %run_scoped3A = tpu.sem_alloc : memref<!tpu.dma_semaphore, #tpu.memory_space<semaphore_mem>>
      %dma_start3A_480 = arith.constant 0 : i32
      %dma_start3A_481 = arith.constant 0 : i32
      %dma_start3A_482 = tpu.memref_slice %arg22[%dma_start3A_480, %dma_start3A_481] : memref<640x128xf32, #tpu.memory_space<vmem_shared>> -> memref<640x128xf32, #tpu.memory_space<vmem_shared>>
      tpu.enqueue_indirect_dma source(%arg17 : memref<128x128xf32, #tpu.memory_space<vmem>>) target(%dma_start3A_482 : memref<640x128xf32, #tpu.memory_space<vmem_shared>>) offsets(%arg15 : memref<128xi32, #tpu.memory_space<vmem>>) semaphore(%run_scoped3A : memref<!tpu.dma_semaphore, #tpu.memory_space<semaphore_mem>>) {add = true}
      %dma_wait3A_483 = arith.constant 0 : i32
      %dma_wait3A_484 = arith.constant 0 : i32
      %dma_wait3A_485 = tpu.memref_slice %arg22[%dma_wait3A_483, %dma_wait3A_484] : memref<640x128xf32, #tpu.memory_space<vmem_shared>> -> memref<640x128xf32, #tpu.memory_space<vmem_shared>>
      tpu.wait_indirect_dma semaphore(%run_scoped3A : memref<!tpu.dma_semaphore, #tpu.memory_space<semaphore_mem>>) src(%arg17 : memref<128x128xf32, #tpu.memory_space<vmem>>) dst(%dma_wait3A_485 : memref<640x128xf32, #tpu.memory_space<vmem_shared>>)
      tpu.yield
    }) : () -> ()
    "tpu.trace_stop"() : () -> ()
    "tpu.trace_start"() <{level = 10 : i32, message = "ph_barrier2"}> : () -> ()
    %barrier3A_467 = arith.constant 0 : index
    tpu.barrier barrier_id(%barrier3A_467)
    "tpu.trace_stop"() : () -> ()
    "tpu.trace_start"() <{level = 10 : i32, message = "ph_copyout"}> : () -> ()
    %mul3A_468 = arith.constant 32 : i32
    %mul3A_469 = arith.muli %arg1, %mul3A_468 : i32
    %mul3A_470 = arith.constant 32 : i32
    %mul3A_471 = arith.muli %arg1, %mul3A_470 : i32
    "tpu.region"() ({
      %run_scoped3A = tpu.sem_alloc : memref<!tpu.dma_semaphore, #tpu.memory_space<semaphore_mem>>
      %dma_start3A_480 = arith.constant 0 : i32
      %dma_start3A_481 = tpu.memref_slice %arg6[%arg0, %mul3A_471, %dma_start3A_480] : memref<2x512x128xf32, #tpu.memory_space<hbm>> -> memref<1x32x128xf32, #tpu.memory_space<hbm>>
      %dma_start3A_482 = tpu.memref_squeeze %dma_start3A_481 : memref<1x32x128xf32, #tpu.memory_space<hbm>> -> memref<32x128xf32, #tpu.memory_space<hbm>>
      %dma_start3A_483 = arith.constant 0 : i32
      %dma_start3A_484 = tpu.memref_slice %arg21[%mul3A_469, %dma_start3A_483] : memref<640x128xf32, #tpu.memory_space<vmem_shared>> -> memref<32x128xf32, #tpu.memory_space<vmem_shared>>
      tpu.enqueue_dma source(%dma_start3A_484 : memref<32x128xf32, #tpu.memory_space<vmem_shared>>) target(%dma_start3A_482 : memref<32x128xf32, #tpu.memory_space<hbm>>) target_semaphore(%run_scoped3A : memref<!tpu.dma_semaphore, #tpu.memory_space<semaphore_mem>>)
      %dma_wait3A_485 = arith.constant 0 : i32
      %dma_wait3A_486 = tpu.memref_slice %arg6[%arg0, %mul3A_471, %dma_wait3A_485] : memref<2x512x128xf32, #tpu.memory_space<hbm>> -> memref<1x32x128xf32, #tpu.memory_space<hbm>>
      %dma_wait3A_487 = tpu.memref_squeeze %dma_wait3A_486 : memref<1x32x128xf32, #tpu.memory_space<hbm>> -> memref<32x128xf32, #tpu.memory_space<hbm>>
      %dma_wait3A_488 = arith.constant 0 : i32
      %dma_wait3A_489 = tpu.memref_slice %arg21[%mul3A_469, %dma_wait3A_488] : memref<640x128xf32, #tpu.memory_space<vmem_shared>> -> memref<32x128xf32, #tpu.memory_space<vmem_shared>>
      tpu.wait_dma2 semaphore(%run_scoped3A : memref<!tpu.dma_semaphore, #tpu.memory_space<semaphore_mem>>) src(%dma_wait3A_489 : memref<32x128xf32, #tpu.memory_space<vmem_shared>>) dst(%dma_wait3A_487 : memref<32x128xf32, #tpu.memory_space<hbm>>)
      tpu.yield
    }) : () -> ()
    %mul3A_472 = arith.constant 32 : i32
    %mul3A_473 = arith.muli %arg1, %mul3A_472 : i32
    %mul3A_474 = arith.constant 32 : i32
    %mul3A_475 = arith.muli %arg1, %mul3A_474 : i32
    "tpu.region"() ({
      %run_scoped3A = tpu.sem_alloc : memref<!tpu.dma_semaphore, #tpu.memory_space<semaphore_mem>>
      %dma_start3A_480 = arith.constant 0 : i32
      %dma_start3A_481 = tpu.memref_slice %arg7[%arg0, %mul3A_475, %dma_start3A_480] : memref<2x512x128xf32, #tpu.memory_space<hbm>> -> memref<1x32x128xf32, #tpu.memory_space<hbm>>
      %dma_start3A_482 = tpu.memref_squeeze %dma_start3A_481 : memref<1x32x128xf32, #tpu.memory_space<hbm>> -> memref<32x128xf32, #tpu.memory_space<hbm>>
      %dma_start3A_483 = arith.constant 0 : i32
      %dma_start3A_484 = tpu.memref_slice %arg22[%mul3A_473, %dma_start3A_483] : memref<640x128xf32, #tpu.memory_space<vmem_shared>> -> memref<32x128xf32, #tpu.memory_space<vmem_shared>>
      tpu.enqueue_dma source(%dma_start3A_484 : memref<32x128xf32, #tpu.memory_space<vmem_shared>>) target(%dma_start3A_482 : memref<32x128xf32, #tpu.memory_space<hbm>>) target_semaphore(%run_scoped3A : memref<!tpu.dma_semaphore, #tpu.memory_space<semaphore_mem>>)
      %dma_wait3A_485 = arith.constant 0 : i32
      %dma_wait3A_486 = tpu.memref_slice %arg7[%arg0, %mul3A_475, %dma_wait3A_485] : memref<2x512x128xf32, #tpu.memory_space<hbm>> -> memref<1x32x128xf32, #tpu.memory_space<hbm>>
      %dma_wait3A_487 = tpu.memref_squeeze %dma_wait3A_486 : memref<1x32x128xf32, #tpu.memory_space<hbm>> -> memref<32x128xf32, #tpu.memory_space<hbm>>
      %dma_wait3A_488 = arith.constant 0 : i32
      %dma_wait3A_489 = tpu.memref_slice %arg22[%mul3A_473, %dma_wait3A_488] : memref<640x128xf32, #tpu.memory_space<vmem_shared>> -> memref<32x128xf32, #tpu.memory_space<vmem_shared>>
      tpu.wait_dma2 semaphore(%run_scoped3A : memref<!tpu.dma_semaphore, #tpu.memory_space<semaphore_mem>>) src(%dma_wait3A_489 : memref<32x128xf32, #tpu.memory_space<vmem_shared>>) dst(%dma_wait3A_487 : memref<32x128xf32, #tpu.memory_space<hbm>>)
      tpu.yield
    }) : () -> ()
    %eq3A = arith.constant 0 : i32
    "tpu.trace_stop"() : () -> ()
    %eq3A_476 = arith.cmpi eq, %arg1, %eq3A : i32
    %eq3A_477 = arith.constant 0 : i32
    %eq3A_478 = arith.cmpi eq, %arg0, %eq3A_477 : i32
    %and3A = arith.andi %eq3A_476, %eq3A_478 : i1
    %convert_element_type3A = arith.extui %and3A : i1 to i32
    %cond3A = arith.constant 0 : i32
    %cond3A_479 = arith.cmpi ne, %convert_element_type3A, %cond3A : i32
    scf.if %cond3A_479 {
      %scan3A_480 = arith.constant 0 : i32
      %scan3A_481 = arith.constant 0 : i32
      %scan3A_482 = arith.constant 32 : i32
      %scan3A_483 = arith.addi %scan3A_481, %scan3A_482 : i32
      %scan3A_484 = arith.constant 1 : i32
      %scan3A_485 = scf.for %scan3A_487 = %scan3A_481 to %scan3A_483 step %scan3A_484 iter_args(%scan3A_488 = %scan3A_480) -> (i32)  : i32 {
        %mul3A_489 = arith.constant 16 : i32
        %mul3A_490 = arith.muli %scan3A_487, %mul3A_489 : i32
        %get3A_491 = arith.index_cast %mul3A_490 : i32 to index
        %get3A_492 = tpu.vector_load %arg13[%get3A_491] {strides = array<i32>} : memref<512xi32, #tpu.memory_space<vmem>>, vector<16xi32>,
        %max3A = arith.constant 0 : i32
        %max3A_493 = vector.broadcast %max3A : i32 to vector<16xi32>
        %max3A_494 = arith.maxsi %get3A_492, %max3A_493 : vector<16xi32>
        %gather3A = tpu.vector_load_idx %arg12[%max3A_494] : memref<10000xi32, #tpu.memory_space<vmem>>[vector<16xi32>], vector<16xi32>,
        %ge3A = arith.constant 0 : i32
        %ge3A_495 = vector.broadcast %ge3A : i32 to vector<16xi32>
        %ge3A_496 = arith.cmpi sge, %get3A_492, %ge3A_495 : vector<16xi32>
        %jit3A = arith.constant -1 : i32
        %broadcast_in_dim3A_497 = vector.broadcast %jit3A : i32 to vector<16xi32>
        %select_n3A = arith.select %ge3A_496, %gather3A, %broadcast_in_dim3A_497 : vector<16xi1>, vector<16xi32>
        %mul3A_498 = arith.constant 16 : i32
        %mul3A_499 = arith.muli %scan3A_487, %mul3A_498 : i32
        %swap3A_500 = arith.index_cast %mul3A_499 : i32 to index
        %swap3A_501 = tpu.vector_load %arg19[%swap3A_500] {strides = array<i32>} : memref<512xi32, #tpu.memory_space<vmem>>, vector<16xi32>,
        tpu.vector_store %arg19[%swap3A_500], %select_n3A {strides = array<i32>} : memref<512xi32, #tpu.memory_space<vmem>>, vector<16xi32>,
        %scan3A_502 = arith.constant 0 : i32
        scf.yield %scan3A_502 : i32
      }
      %scan3A_486 = arith.constant 32 : i32
      "tpu.region"() ({
        %run_scoped3A = tpu.sem_alloc : memref<!tpu.dma_semaphore, #tpu.memory_space<semaphore_mem>>
        tpu.enqueue_dma source(%arg19 : memref<512xi32, #tpu.memory_space<vmem>>) target(%arg8 : memref<512xi32, #tpu.memory_space<hbm>>) target_semaphore(%run_scoped3A : memref<!tpu.dma_semaphore, #tpu.memory_space<semaphore_mem>>)
        tpu.wait_dma2 semaphore(%run_scoped3A : memref<!tpu.dma_semaphore, #tpu.memory_space<semaphore_mem>>) src(%arg19 : memref<512xi32, #tpu.memory_space<vmem>>) dst(%arg8 : memref<512xi32, #tpu.memory_space<hbm>>)
        tpu.yield
      }) : () -> ()
    } else {
    }
    return
  }
}

module attributes {stable_mosaic.version = 14 : i64} {
  func.func @_tc_final_body(%arg0: memref<2500x128xf32, #tpu.memory_space<vmem>>, %arg1: memref<1x128xf32, #tpu.memory_space<vmem>>, %arg2: memref<2x512x128xf32, #tpu.memory_space<vmem>>, %arg3: memref<2x512x128xf32, #tpu.memory_space<vmem>>, %arg4: memref<512x1xi32, #tpu.memory_space<vmem>>, %arg5: memref<512x1xf32, #tpu.memory_space<vmem>>, %arg6: memref<128x128xf32, #tpu.memory_space<vmem>>, %arg7: memref<128x16xf32, #tpu.memory_space<vmem>>, %arg8: memref<1x1xf32, #tpu.memory_space<vmem>>) attributes {dimension_semantics = [], scalar_prefetch = 0 : i64, scratch_operands = 0 : i64, tpu.core_type = #tpu.core_type<tc>} {
    %get3A = arith.constant 0 : index
    %get3A_0 = arith.constant 0 : index
    %get3A_1 = arith.constant 0 : index
    %get3A_2 = vector.load %arg2[%get3A, %get3A_0, %get3A_1] : memref<2x512x128xf32, #tpu.memory_space<vmem>>, vector<1x512x128xf32>
    %get3A_3 = vector.shape_cast %get3A_2 : vector<1x512x128xf32> to vector<512x128xf32>
    %get3A_4 = arith.constant 1 : index
    %get3A_5 = arith.constant 0 : index
    %get3A_6 = arith.constant 0 : index
    %get3A_7 = vector.load %arg2[%get3A_4, %get3A_5, %get3A_6] : memref<2x512x128xf32, #tpu.memory_space<vmem>>, vector<1x512x128xf32>
    %get3A_8 = vector.shape_cast %get3A_7 : vector<1x512x128xf32> to vector<512x128xf32>
    %add3A = arith.addf %get3A_3, %get3A_8 : vector<512x128xf32>
    %get3A_9 = arith.constant 0 : index
    %get3A_10 = arith.constant 0 : index
    %get3A_11 = arith.constant 0 : index
    %get3A_12 = vector.load %arg3[%get3A_9, %get3A_10, %get3A_11] : memref<2x512x128xf32, #tpu.memory_space<vmem>>, vector<1x512x128xf32>
    %get3A_13 = vector.shape_cast %get3A_12 : vector<1x512x128xf32> to vector<512x128xf32>
    %get3A_14 = arith.constant 1 : index
    %get3A_15 = arith.constant 0 : index
    %get3A_16 = arith.constant 0 : index
    %get3A_17 = vector.load %arg3[%get3A_14, %get3A_15, %get3A_16] : memref<2x512x128xf32, #tpu.memory_space<vmem>>, vector<1x512x128xf32>
    %get3A_18 = vector.shape_cast %get3A_17 : vector<1x512x128xf32> to vector<512x128xf32>
    %add3A_19 = arith.addf %get3A_13, %get3A_18 : vector<512x128xf32>
    %get3A_20 = arith.constant 0 : index
    %get3A_21 = arith.constant 0 : index
    %get3A_22 = vector.load %arg1[%get3A_20, %get3A_21] : memref<1x128xf32, #tpu.memory_space<vmem>>, vector<1x128xf32>
    %logistic3A = arith.negf %get3A_22 : vector<1x128xf32>
    %logistic3A_23 = math.exp %logistic3A : vector<1x128xf32>
    %logistic3A_24 = arith.constant 1.000000e+00 : f32
    %logistic3A_25 = vector.broadcast %logistic3A_24 : f32 to vector<1x128xf32>
    %logistic3A_26 = arith.addf %logistic3A_25, %logistic3A_23 : vector<1x128xf32>
    %logistic3A_27 = arith.divf %logistic3A_25, %logistic3A_26 : vector<1x128xf32>
    %get3A_28 = arith.constant 0 : index
    %get3A_29 = arith.constant 0 : index
    %get3A_30 = vector.load %arg6[%get3A_28, %get3A_29] : memref<128x128xf32, #tpu.memory_space<vmem>>, vector<128x128xf32>
    %dot_general3A = arith.constant dense<0.000000e+00> : vector<512x128xf32>
    %dot_general3A_31 = tpu.matmul %add3A, %get3A_30, %dot_general3A {dimension_numbers = #tpu.dot_dimension_numbers<[1], [0], [0], [1], [0, 0, 1, 1], [], []>, transpose_lhs_hint = false} : vector<512x128xf32>, vector<128x128xf32>, vector<512x128xf32> -> vector<512x128xf32>
    %max3A = arith.constant 0.000000e+00 : f32
    %max3A_32 = vector.broadcast %max3A : f32 to vector<512x128xf32>
    %max3A_33 = arith.maximumf %dot_general3A_31, %max3A_32 : vector<512x128xf32>
    %mul3A = vector.broadcast %logistic3A_27 : vector<1x128xf32> to vector<512x128xf32>
    %mul3A_34 = arith.mulf %add3A_19, %mul3A : vector<512x128xf32>
    %dot_general3A_35 = arith.constant dense<0.000000e+00> : vector<512x128xf32>
    %dot_general3A_36 = tpu.matmul %mul3A_34, %get3A_30, %dot_general3A_35 {dimension_numbers = #tpu.dot_dimension_numbers<[1], [0], [0], [1], [0, 0, 1, 1], [], []>, transpose_lhs_hint = false} : vector<512x128xf32>, vector<128x128xf32>, vector<512x128xf32> -> vector<512x128xf32>
    %max3A_37 = arith.constant 0.000000e+00 : f32
    %max3A_38 = vector.broadcast %max3A_37 : f32 to vector<512x128xf32>
    %max3A_39 = arith.maximumf %dot_general3A_36, %max3A_38 : vector<512x128xf32>
    %get3A_40 = arith.constant 0 : index
    %get3A_41 = arith.constant 0 : index
    %get3A_42 = vector.load %arg4[%get3A_40, %get3A_41] : memref<512x1xi32, #tpu.memory_space<vmem>>, vector<512x1xi32>
    %iota3A = tpu.iota {dimensions = array<i32: 1>} : vector<512x512xi32>
    %eq3A = vector.broadcast %get3A_42 : vector<512x1xi32> to vector<512x512xi32>
    %eq3A_43 = arith.cmpi eq, %eq3A, %iota3A : vector<512x512xi32>
    %convert_element_type3A = arith.extui %eq3A_43 : vector<512x512xi1> to vector<512x512xi32>
    %convert_element_type3A_44 = arith.sitofp %convert_element_type3A : vector<512x512xi32> to vector<512x512xf32>
    %get3A_45 = arith.constant 0 : index
    %get3A_46 = arith.constant 0 : index
    %get3A_47 = vector.load %arg5[%get3A_45, %get3A_46] : memref<512x1xf32, #tpu.memory_space<vmem>>, vector<512x1xf32>
    %logistic3A_48 = arith.negf %get3A_47 : vector<512x1xf32>
    %logistic3A_49 = math.exp %logistic3A_48 : vector<512x1xf32>
    %logistic3A_50 = arith.constant 1.000000e+00 : f32
    %logistic3A_51 = vector.broadcast %logistic3A_50 : f32 to vector<512x1xf32>
    %logistic3A_52 = arith.addf %logistic3A_51, %logistic3A_49 : vector<512x1xf32>
    %logistic3A_53 = arith.divf %logistic3A_51, %logistic3A_52 : vector<512x1xf32>
    %broadcast_in_dim3A = arith.constant 1.000000e+00 : f32
    %broadcast_in_dim3A_54 = vector.broadcast %broadcast_in_dim3A : f32 to vector<1x512xf32>
    %dot_general3A_55 = arith.constant dense<0.000000e+00> : vector<1x512xf32>
    %dot_general3A_56 = tpu.matmul %broadcast_in_dim3A_54, %convert_element_type3A_44, %dot_general3A_55 {dimension_numbers = #tpu.dot_dimension_numbers<[1], [0], [0], [1], [0, 0, 1, 1], [], []>, transpose_lhs_hint = false} : vector<1x512xf32>, vector<512x512xf32>, vector<1x512xf32> -> vector<1x512xf32>
    %mul3A_57 = vector.broadcast %logistic3A_53 : vector<512x1xf32> to vector<512x512xf32>
    %mul3A_58 = arith.mulf %convert_element_type3A_44, %mul3A_57 : vector<512x512xf32>
    %dot_general3A_59 = arith.constant dense<0.000000e+00> : vector<1x512xf32>
    %dot_general3A_60 = tpu.matmul %broadcast_in_dim3A_54, %mul3A_58, %dot_general3A_59 {dimension_numbers = #tpu.dot_dimension_numbers<[1], [0], [0], [1], [0, 0, 1, 1], [], []>, transpose_lhs_hint = false} : vector<1x512xf32>, vector<512x512xf32>, vector<1x512xf32> -> vector<1x512xf32>
    %get3A_61 = arith.constant 0 : index
    %get3A_62 = arith.constant 0 : index
    %get3A_63 = vector.load %arg7[%get3A_61, %get3A_62] : memref<128x16xf32, #tpu.memory_space<vmem>>, vector<128x16xf32>
    %dot_general3A_64 = arith.constant dense<0.000000e+00> : vector<1x128xf32>
    %dot_general3A_65 = tpu.matmul %dot_general3A_56, %max3A_33, %dot_general3A_64 {dimension_numbers = #tpu.dot_dimension_numbers<[1], [0], [0], [1], [0, 0, 1, 1], [], []>, transpose_lhs_hint = false} : vector<1x512xf32>, vector<512x128xf32>, vector<1x128xf32> -> vector<1x128xf32>
    %dot_general3A_66 = arith.constant dense<0.000000e+00> : vector<1x16xf32>
    %dot_general3A_67 = tpu.matmul %dot_general3A_65, %get3A_63, %dot_general3A_66 {dimension_numbers = #tpu.dot_dimension_numbers<[1], [0], [0], [1], [0, 0, 1, 1], [], []>, transpose_lhs_hint = false} : vector<1x128xf32>, vector<128x16xf32>, vector<1x16xf32> -> vector<1x16xf32>
    %dot_general3A_68 = arith.constant dense<0.000000e+00> : vector<1x128xf32>
    %dot_general3A_69 = tpu.matmul %dot_general3A_60, %max3A_39, %dot_general3A_68 {dimension_numbers = #tpu.dot_dimension_numbers<[1], [0], [0], [1], [0, 0, 1, 1], [], []>, transpose_lhs_hint = false} : vector<1x512xf32>, vector<512x128xf32>, vector<1x128xf32> -> vector<1x128xf32>
    %dot_general3A_70 = arith.constant dense<0.000000e+00> : vector<1x16xf32>
    %dot_general3A_71 = tpu.matmul %dot_general3A_69, %get3A_63, %dot_general3A_70 {dimension_numbers = #tpu.dot_dimension_numbers<[1], [0], [0], [1], [0, 0, 1, 1], [], []>, transpose_lhs_hint = false} : vector<1x128xf32>, vector<128x16xf32>, vector<1x16xf32> -> vector<1x16xf32>
    %argmax3A = tpu.reduce_index %dot_general3A_67 {axis = 1 : i32, kind = #tpu.reduction_kind<arg_max>} : vector<1x16xf32> -> vector<1xi32>
    %reduce_max3A = arith.constant dense<0xFF800000> : vector<1xf32>
    %reduce_max3A_72 = vector.multi_reduction <maximumf>, %dot_general3A_71, %reduce_max3A [1] : vector<1x16xf32> to vector<1xf32>
    %broadcast_in_dim3A_73 = vector.shape_cast %reduce_max3A_72 : vector<1xf32> to vector<1x1xf32>
    %sub3A = vector.broadcast %broadcast_in_dim3A_73 : vector<1x1xf32> to vector<1x16xf32>
    %sub3A_74 = arith.subf %dot_general3A_71, %sub3A : vector<1x16xf32>
    %exp3A = math.exp %sub3A_74 : vector<1x16xf32>
    %reduce_sum3A = arith.constant dense<0.000000e+00> : vector<1xf32>
    %reduce_sum3A_75 = vector.multi_reduction <add>, %exp3A, %reduce_sum3A [1] : vector<1x16xf32> to vector<1xf32>
    %broadcast_in_dim3A_76 = vector.shape_cast %reduce_sum3A_75 : vector<1xf32> to vector<1x1xf32>
    %log3A = math.log %broadcast_in_dim3A_76 : vector<1x1xf32>
    %add3A_77 = arith.addf %log3A, %broadcast_in_dim3A_73 : vector<1x1xf32>
    %sub3A_78 = vector.broadcast %add3A_77 : vector<1x1xf32> to vector<1x16xf32>
    %sub3A_79 = arith.subf %dot_general3A_71, %sub3A_78 : vector<1x16xf32>
    %iota3A_80 = tpu.iota {dimensions = array<i32: 1>} : vector<1x16xi32>
    %broadcast_in_dim3A_81 = vector.shape_cast %argmax3A : vector<1xi32> to vector<1x1xi32>
    %eq3A_82 = vector.broadcast %broadcast_in_dim3A_81 : vector<1x1xi32> to vector<1x16xi32>
    %eq3A_83 = arith.cmpi eq, %iota3A_80, %eq3A_82 : vector<1x16xi32>
    %jit3A = arith.constant 0.000000e+00 : f32
    %broadcast_in_dim3A_84 = vector.broadcast %jit3A : f32 to vector<1x16xf32>
    %select_n3A = arith.select %eq3A_83, %sub3A_79, %broadcast_in_dim3A_84 : vector<1x16xi1>, vector<1x16xf32>
    %reduce_sum3A_85 = vector.shape_cast %select_n3A : vector<1x16xf32> to vector<1x1x16xf32>
    %reduce_sum3A_86 = arith.constant dense<0.000000e+00> : vector<1xf32>
    %reduce_sum3A_87 = vector.multi_reduction <add>, %reduce_sum3A_85, %reduce_sum3A_86 [1, 2] : vector<1x1x16xf32> to vector<1xf32>
    %reduce_sum3A_88 = vector.shape_cast %reduce_sum3A_87 : vector<1xf32> to vector<1x1x1xf32>
    %reduce_sum3A_89 = vector.extract %reduce_sum3A_88[0, 0, 0] : f32 from vector<1x1x1xf32>
    %neg3A = arith.constant 0.000000e+00 : f32
    %neg3A_90 = arith.subf %neg3A, %reduce_sum3A_89 : f32
    %get3A_91 = arith.constant 0 : index
    %get3A_92 = arith.constant 0 : index
    %get3A_93 = vector.load %arg0[%get3A_91, %get3A_92] : memref<2500x128xf32, #tpu.memory_space<vmem>>, vector<2500x128xf32>
    %logistic3A_94 = arith.negf %get3A_93 : vector<2500x128xf32>
    %logistic3A_95 = math.exp %logistic3A_94 : vector<2500x128xf32>
    %logistic3A_96 = arith.constant 1.000000e+00 : f32
    %logistic3A_97 = vector.broadcast %logistic3A_96 : f32 to vector<2500x128xf32>
    %logistic3A_98 = arith.addf %logistic3A_97, %logistic3A_95 : vector<2500x128xf32>
    %logistic3A_99 = arith.divf %logistic3A_97, %logistic3A_98 : vector<2500x128xf32>
    %neg3A_100 = arith.constant 0.000000e+00 : f32
    %neg3A_101 = vector.broadcast %neg3A_100 : f32 to vector<2500x128xf32>
    %neg3A_102 = arith.subf %neg3A_101, %logistic3A_99 : vector<2500x128xf32>
    %add3A_103 = arith.constant 1.000000e-15 : f32
    %add3A_104 = vector.broadcast %add3A_103 : f32 to vector<2500x128xf32>
    %add3A_105 = arith.addf %logistic3A_99, %add3A_104 : vector<2500x128xf32>
    %log3A_106 = math.log %add3A_105 : vector<2500x128xf32>
    %mul3A_107 = arith.mulf %neg3A_102, %log3A_106 : vector<2500x128xf32>
    %sub3A_108 = arith.constant 1.000000e+00 : f32
    %sub3A_109 = vector.broadcast %sub3A_108 : f32 to vector<2500x128xf32>
    %sub3A_110 = arith.subf %sub3A_109, %logistic3A_99 : vector<2500x128xf32>
    %sub3A_111 = arith.constant 1.000000e+00 : f32
    %sub3A_112 = vector.broadcast %sub3A_111 : f32 to vector<2500x128xf32>
    %sub3A_113 = arith.subf %sub3A_112, %logistic3A_99 : vector<2500x128xf32>
    %add3A_114 = arith.constant 1.000000e-15 : f32
    %add3A_115 = vector.broadcast %add3A_114 : f32 to vector<2500x128xf32>
    %add3A_116 = arith.addf %sub3A_113, %add3A_115 : vector<2500x128xf32>
    %log3A_117 = math.log %add3A_116 : vector<2500x128xf32>
    %mul3A_118 = arith.mulf %sub3A_110, %log3A_117 : vector<2500x128xf32>
    %sub3A_119 = arith.subf %mul3A_107, %mul3A_118 : vector<2500x128xf32>
    %reduce_sum3A_120 = vector.shape_cast %logistic3A_99 : vector<2500x128xf32> to vector<1x2500x128xf32>
    %reduce_sum3A_121 = arith.constant dense<0.000000e+00> : vector<1xf32>
    %reduce_sum3A_122 = vector.multi_reduction <add>, %reduce_sum3A_120, %reduce_sum3A_121 [1, 2] : vector<1x2500x128xf32> to vector<1xf32>
    %reduce_sum3A_123 = vector.shape_cast %reduce_sum3A_122 : vector<1xf32> to vector<1x1x1xf32>
    %reduce_sum3A_124 = vector.extract %reduce_sum3A_123[0, 0, 0] : f32 from vector<1x1x1xf32>
    %mul3A_125 = arith.constant 5.000000e-03 : f32
    %mul3A_126 = arith.mulf %mul3A_125, %reduce_sum3A_124 : f32
    %add3A_127 = arith.addf %neg3A_90, %mul3A_126 : f32
    %reduce_sum3A_128 = vector.shape_cast %sub3A_119 : vector<2500x128xf32> to vector<1x2500x128xf32>
    %reduce_sum3A_129 = arith.constant dense<0.000000e+00> : vector<1xf32>
    %reduce_sum3A_130 = vector.multi_reduction <add>, %reduce_sum3A_128, %reduce_sum3A_129 [1, 2] : vector<1x2500x128xf32> to vector<1xf32>
    %reduce_sum3A_131 = vector.shape_cast %reduce_sum3A_130 : vector<1xf32> to vector<1x1x1xf32>
    %reduce_sum3A_132 = vector.extract %reduce_sum3A_131[0, 0, 0] : f32 from vector<1x1x1xf32>
    %div3A = arith.constant 3.200000e+05 : f32
    %div3A_133 = arith.divf %reduce_sum3A_132, %div3A : f32
    %mul3A_134 = arith.constant 1.000000e+00 : f32
    %mul3A_135 = arith.mulf %mul3A_134, %div3A_133 : f32
    %add3A_136 = arith.addf %add3A_127, %mul3A_135 : f32
    %neg3A_137 = arith.constant 0.000000e+00 : f32
    %neg3A_138 = vector.broadcast %neg3A_137 : f32 to vector<1x128xf32>
    %neg3A_139 = arith.subf %neg3A_138, %logistic3A_27 : vector<1x128xf32>
    %add3A_140 = arith.constant 1.000000e-15 : f32
    %add3A_141 = vector.broadcast %add3A_140 : f32 to vector<1x128xf32>
    %add3A_142 = arith.addf %logistic3A_27, %add3A_141 : vector<1x128xf32>
    %log3A_143 = math.log %add3A_142 : vector<1x128xf32>
    %mul3A_144 = arith.mulf %neg3A_139, %log3A_143 : vector<1x128xf32>
    %sub3A_145 = arith.constant 1.000000e+00 : f32
    %sub3A_146 = vector.broadcast %sub3A_145 : f32 to vector<1x128xf32>
    %sub3A_147 = arith.subf %sub3A_146, %logistic3A_27 : vector<1x128xf32>
    %sub3A_148 = arith.constant 1.000000e+00 : f32
    %sub3A_149 = vector.broadcast %sub3A_148 : f32 to vector<1x128xf32>
    %sub3A_150 = arith.subf %sub3A_149, %logistic3A_27 : vector<1x128xf32>
    %add3A_151 = arith.constant 1.000000e-15 : f32
    %add3A_152 = vector.broadcast %add3A_151 : f32 to vector<1x128xf32>
    %add3A_153 = arith.addf %sub3A_150, %add3A_152 : vector<1x128xf32>
    %log3A_154 = math.log %add3A_153 : vector<1x128xf32>
    %mul3A_155 = arith.mulf %sub3A_147, %log3A_154 : vector<1x128xf32>
    %sub3A_156 = arith.subf %mul3A_144, %mul3A_155 : vector<1x128xf32>
    %reduce_sum3A_157 = vector.shape_cast %logistic3A_27 : vector<1x128xf32> to vector<1x1x128xf32>
    %reduce_sum3A_158 = arith.constant dense<0.000000e+00> : vector<1xf32>
    %reduce_sum3A_159 = vector.multi_reduction <add>, %reduce_sum3A_157, %reduce_sum3A_158 [1, 2] : vector<1x1x128xf32> to vector<1xf32>
    %reduce_sum3A_160 = vector.shape_cast %reduce_sum3A_159 : vector<1xf32> to vector<1x1x1xf32>
    %reduce_sum3A_161 = vector.extract %reduce_sum3A_160[0, 0, 0] : f32 from vector<1x1x1xf32>
    %mul3A_162 = arith.constant 1.000000e+00 : f32
    %mul3A_163 = arith.mulf %mul3A_162, %reduce_sum3A_161 : f32
    %add3A_164 = arith.addf %add3A_136, %mul3A_163 : f32
    %reduce_sum3A_165 = vector.shape_cast %sub3A_156 : vector<1x128xf32> to vector<1x1x128xf32>
    %reduce_sum3A_166 = arith.constant dense<0.000000e+00> : vector<1xf32>
    %reduce_sum3A_167 = vector.multi_reduction <add>, %reduce_sum3A_165, %reduce_sum3A_166 [1, 2] : vector<1x1x128xf32> to vector<1xf32>
    %reduce_sum3A_168 = vector.shape_cast %reduce_sum3A_167 : vector<1xf32> to vector<1x1x1xf32>
    %reduce_sum3A_169 = vector.extract %reduce_sum3A_168[0, 0, 0] : f32 from vector<1x1x1xf32>
    %div3A_170 = arith.constant 1.280000e+02 : f32
    %div3A_171 = arith.divf %reduce_sum3A_169, %div3A_170 : f32
    %mul3A_172 = arith.constant 1.000000e-01 : f32
    %mul3A_173 = arith.mulf %mul3A_172, %div3A_171 : f32
    %add3A_174 = arith.addf %add3A_164, %mul3A_173 : f32
    %reshape3A = vector.broadcast %add3A_174 : f32 to vector<1x1xf32>
    %swap3A = arith.constant 0 : index
    %swap3A_175 = arith.constant 0 : index
    %swap3A_176 = vector.load %arg8[%swap3A, %swap3A_175] : memref<1x1xf32, #tpu.memory_space<vmem>>, vector<1x1xf32>
    tpu.vector_store %arg8[%swap3A, %swap3A_175], %reshape3A {strides = array<i32>} : memref<1x1xf32, #tpu.memory_space<vmem>>, vector<1x1xf32>,
    return
  }
}

</mosaic_0001>

<sc_bundles>
// kernel: kernel.5.cloned.1.call-start
scs
__scs_entry_jumppad:
0x0: {  	(pc) =	sbr.rel $0x88, $3  }
0x1: {  	(tag) =	ssettag $0x0;
	lr =	simm.s32 $0x1  }
0x2: {  	[smem:$0x3F9A] =	sst lr;
	_ =	strace $0xD0000000  }
0x3: {  	_ = 	snop  }
0x4: {  	_ = 	snop  }
0x5: {  	_ = 	snop  }
0x6: {  	_ = 	snop  }
0x7: {  	_ = 	snop  }
__scs_overlays_trampoline_lowered:
0x8: {  	[smem:$0x3FA9] =	sst s0  }
0x9: {  	[smem:$0x3FAA] =	sst s1  }
0xa: {  	[smem:$0x3FAB] =	sst s2  }
0xb: {  	[smem:$0x3FAC] =	sst s3  }
0xc: {  	[smem:$0x3FAD] =	sst s4  }
0xd: {  	[smem:$0x3FAE] =	sst s5  }
0xe: {  	[smem:$0x3FAF] =	sst s6  }
0xf: {  	[smem:$0x3FB0] =	sst s7  }
0x10: {  	[smem:$0x3FB1] =	sst s8  }
0x11: {  	[smem:$0x3FB2] =	sst s9;
	s0 =	simm.s32 @!p0 $0x0  }
0x12: {  	s1 =	sld [smem:$0x3F98];
	s0 =	simm.s32 @p0 $0x1  }
0x13: {  	[smem:$0x3FB3] =	sst s0;
	s0 =	simm.s32 @!p1 $0x0  }
0x14: {  	s2 =	sld [smem:$0x3F97];
	s0 =	simm.s32 @p1 $0x1  }
0x15: {  	[smem:$0x3FB4] =	sst s0;
	s0 =	simm.s32 @!p2 $0x0  }
0x16: {  	s3 =	sld [smem:$0x3FDB];
	s0 =	simm.s32 @p2 $0x1  }
0x17: {  	s4 =	simm.s32 $0x1BF5;
	[smem:$0x3FB6] =	sst s0  }
0x18: {  	s0 =	sld [smem:$0x3F99];
	_ =	swait.ge [sflag:s4], $0x0  }
0x19: {  	s7 =	sld [smem:$0x3F9A]  }
0x1a: {  	s8 =	sadd.s32 $0xFFFFE003, lr  }
0x1b: {  	s9 =	sadd.s32 $0xFFFFFEF7, lr;
	s5 =	simm.s32 $0xFFFFFFFF;
	p2 =	slt.u32 s8, $0xFFFFF086  }
0x1c: {  	p1 =	slt.u32 s9, $0xF7A;
	s5 =	simm.s32 @!p2 $0x0  }
0x1d: {  	s5 =	simm.s32 @p1 $0x1;
	p0 =	seq.s32 s7, s2  }
0x1e: {  	s7 =	smul.u32 @!p0 $0xF7A, s2;
	p2 =	seq.s32 @!p0 s5, $0x0  }
0x1f: {  	s9 =	smul.u32 $0xF7A, s1;
	s8 =	simm.s32 @!p0 $0x1BF5;
	p2 =	por !p2, p0  }
0x20: {  	[sflag:s8] =	ssyncset.s32 @!p0 $0xFFFFF086;
	s6 =	sadd.s32 @!p0 s3, s7;
	s7 =	simm.s32 @!p0 $0x108  }
0x21: {  	s3 =	sadd.s32 s3, s9;
	s6 =	sadd.s32 @!p0 $0x88, s6;
	s7 =	simm.s32 @p2 $0x1082  }
0x22: {  	[simem:s7], [sflag:s8] =	dma.local @!p0 [hbm:s6], $0xF7A  }
0x23: {  	s9 =	sor.u32 $0xD0000000, s2;
	s6 =	simm.s32 $0x108;
	_ =	swait.ge @!p0 [sflag:s8], $0x0  }
0x24: {  	s3 =	sadd.s32 $0x88, s3;
	s6 =	simm.s32 @!p1 $0x1082;
	[sflag:s4] =	ssyncset.s32 $0xFFFFF086  }
0x25: {  	[simem:s6], [sflag:s4] =	dma.local [hbm:s3], $0xF7A  }
0x26: {  	[smem:$0x3F9A] =	sst s1;
	(tag) =	ssettag s2;
	_ =	strace s9  }
0x27: {  	s1 =	sld [smem:$0x3FAA]  }
0x28: {  	s2 =	sld [smem:$0x3FAB]  }
0x29: {  	s4 =	sld [smem:$0x3FAD]  }
0x2a: {  	p0 =	seq.s32 s5, $0x0;
	s5 =	sld [smem:$0x3FAE]  }
0x2b: {  	s6 =	sld [smem:$0x3FAF]  }
0x2c: {  	s7 =	sld [smem:$0x3FB0]  }
0x2d: {  	s3 =	simm.s32 $0x108;
	s8 =	sld [smem:$0x3FB1]  }
0x2e: {  	s3 =	simm.s32 @!p0 $0x1082;
	s9 =	sld [smem:$0x3FB2]  }
0x2f: {  	lr =	sadd.s32 s0, s3;
	s0 =	sld [smem:$0x3FA9]  }
0x30: {  	s3 =	sld [smem:$0x3FAC]  }
0x31: {  	[smem:$0x3FB5] =	sst s10  }
0x32: {  	s10 =	sld [smem:$0x3FB3];
	_ =	sdelay $0x3  }
0x33: {  	p0 =	seq.s32 s10, $0x1;
	s10 =	sld [smem:$0x3FB5];
	_ =	sdelay $0x3  }
0x34: {  	[smem:$0x3FB5] =	sst s10  }
0x35: {  	s10 =	sld [smem:$0x3FB4];
	_ =	sdelay $0x3  }
0x36: {  	p1 =	seq.s32 s10, $0x1;
	s10 =	sld [smem:$0x3FB5];
	_ =	sdelay $0x3  }
0x37: {  	[smem:$0x3FB5] =	sst s10  }
0x38: {  	s10 =	sld [smem:$0x3FB6]  }
0x39: {  	_ = 	snop;
	(pc) =	sbr.ind lr, $3  }
0x3a: {  	_ = 	snop  }
0x3b: {  	_ = 	snop  }
0x3c: {  	p2 =	seq.s32 s10, $0x1;
	s10 =	sld [smem:$0x3FB5]  }
0x3d: {  	_ =	shalt  }
0x3e: {  	_ =	shalt  }
0x3f: {  	_ =	shalt  }
0x40: {  	_ =	shalt  }
0x41: {  	_ =	shalt  }
0x42: {  	_ =	shalt  }
0x43: {  	_ =	shalt  }
0x44: {  	_ =	shalt  }
0x45: {  	_ =	shalt  }
0x46: {  	_ =	shalt  }
0x47: {  	_ =	shalt  }
0x48: {  	_ =	shalt  }
0x49: {  	_ =	shalt  }
0x4a: {  	_ =	shalt  }
0x4b: {  	_ =	shalt  }
0x4c: {  	_ =	shalt  }
0x4d: {  	_ =	shalt  }
0x4e: {  	_ =	shalt  }
0x4f: {  	_ =	shalt  }
0x50: {  	_ =	shalt  }
0x51: {  	_ =	shalt  }
0x52: {  	_ =	shalt  }
0x53: {  	_ =	shalt  }
0x54: {  	_ =	shalt  }
0x55: {  	_ =	shalt  }
0x56: {  	_ =	shalt  }
0x57: {  	_ =	shalt  }
0x58: {  	_ =	shalt  }
0x59: {  	_ =	shalt  }
0x5a: {  	_ =	shalt  }
0x5b: {  	_ =	shalt  }
0x5c: {  	_ =	shalt  }
0x5d: {  	_ =	shalt  }
0x5e: {  	_ =	shalt  }
0x5f: {  	_ =	shalt  }
0x60: {  	_ =	shalt  }
0x61: {  	_ =	shalt  }
0x62: {  	_ =	shalt  }
0x63: {  	_ =	shalt  }
0x64: {  	_ =	shalt  }
0x65: {  	_ =	shalt  }
0x66: {  	_ =	shalt  }
0x67: {  	_ =	shalt  }
0x68: {  	_ =	shalt  }
0x69: {  	_ =	shalt  }
0x6a: {  	_ =	shalt  }
0x6b: {  	_ =	shalt  }
0x6c: {  	_ =	shalt  }
0x6d: {  	_ =	shalt  }
0x6e: {  	_ =	shalt  }
0x6f: {  	_ =	shalt  }
0x70: {  	_ =	shalt  }
0x71: {  	_ =	shalt  }
0x72: {  	_ =	shalt  }
0x73: {  	_ =	shalt  }
0x74: {  	_ =	shalt  }
0x75: {  	_ =	shalt  }
0x76: {  	_ =	shalt  }
0x77: {  	_ =	shalt  }
0x78: {  	_ =	shalt  }
0x79: {  	_ =	shalt  }
0x7a: {  	_ =	shalt  }
0x7b: {  	_ =	shalt  }
0x7c: {  	_ =	shalt  }
0x7d: {  	_ =	shalt  }
0x7e: {  	_ =	shalt  }
0x7f: {  	_ =	shalt  }
0x80: {  	_ =	shalt  }
0x81: {  	_ =	shalt  }
0x82: {  	_ =	shalt  }
0x83: {  	_ =	shalt  }
0x84: {  	_ =	shalt  }
0x85: {  	_ =	shalt  }
0x86: {  	_ =	shalt  }
0x87: {  	_ =	shalt  }
.Lfunc_end0:
.L_simem_size_0:
called_computation_lowered:
.L_overlay_start_0:
0x88: {  	s2 =	sld [smem:$0x3FD9]  }
0x89: {  	s3 =	sld [smem:$0x3FFE];
	_ =	sdelay $0x1  }
0x8a: {  	s1 =	srdreg.scid  }
0x8b: {  	s0 =	sand.u32 $0x1, s1  }
0x8c: {  	s17 =	sshll.u32 s0, $0xA;
	s2 =	sadd.s32 s3, s2  }
0x8d: {  	s2 =	sadd.s32 s2, s17  }
0x8e: {  	[smem:$0x3FC1] =	sst s2  }
0x8f: {  	_ = 	snop  }
0x90: {  	s2 =	sld [smem:$0x3FC5]  }
0x91: {  	s18 =	sld [smem:$0x3FD0];
	(tm) =	ssettm $0x1  }
0x92: {  	s4 =	sld [smem:$0x3FFB];
	_ =	sdelay $0x3  }
0x93: {  	_ =	strace s4  }
0x94: {  	s4 =	sld [smem:$0x3FFC];
	_ =	sdelay $0x3  }
0x95: {  	_ =	strace s4  }
0x96: {  	s4 =	sld [smem:$0x3FFD];
	_ =	sdelay $0x3  }
0x97: {  	_ =	strace s4  }
0x98: {  	_ =	strace $0x8FFFFFFF  }
0x99: {  	s19 =	sld [smem:$0x3FDB];
	_ =	sdelay $0x1  }
0x9a: {  	s5 =	simm.s32 $_scs_section_size  }
0x9b: {  	s6 =	simm.s32 $_size__tile_overlayer_lowered;
	s7 =	simm.s32 $_tile_overlayer_lowered  }
0x9c: {  	s22 =	simm.s32 $0x1BFF;
	s21 =	sshll.u32 s7, $0x1;
	s4 =	sadd.s32 s5, s19  }
0x9d: {  	s8 =	simm.s32 $0x0;
	s20 =	sshll.u32 s6, $0x1;
	s6 =	sadd.s32 s21, s4  }
0x9e: {  	[timem:s8], [sflag:s22] =	dma.local [hbm:s6], s20  }
0x9f: {  	_ =	swait.ge [sflag:s22], s20  }
0xa0: {  	s5 =	ssub.s32 $0x0, s20;
	[sflag:s22] =	ssyncset.done $0x0  }
0xa1: {  	[sflag:s22] =	ssyncadd.s32 s5;
	_ =	sdelay $0x1  }
0xa2: {  	s23 =	simm.s32 $0x1B8B  }
0xa3: {  	_ =	swait.ge [sflag:s23], $0x1  }
0xa4: {  	[sflag:s23] =	ssyncset.done $0x0  }
0xa5: {  	s25 =	simm.s32 $0x1B8E;
	s24 =	sld [smem:$0x3FFE];
	[sflag:s23] =	ssyncadd.s32 $0xFFFFFFFF  }
0xa6: {  	s26 =	simm.s32 $execute0_lowered;
	[smem:$0x3FD2] =	sst s25  }
0xa7: {  	s6 =	sshll.u32 s26, $0x1;
	_ =	strace $0x80000046;
	[dreg:$0x1] =	wrdreg $0xFFFFFFFF  }
0xa8: {  	s28 =	simm.s32 $_size_execute0_lowered;
	s4 =	sadd.s32 s4, s6;
	[dreg:$0x0] =	wrdreg $0x0  }
0xa9: {  	s6 =	sshll.u32 s28, $0x1;
	[dreg:$0x2] =	wrdreg s4  }
0xaa: {  	[dreg:$0x3] =	wrdreg s6  }
0xab: {  	[dreg:$0x4] =	wrdreg $0xC0  }
0xac: {  	_ =	task [dreg:s8], $0x5FFFF  }
0xad: {  	[dreg:$0x1] =	wrdreg $0xFFFFFFFF  }
0xae: {  	[dreg:$0x0] =	wrdreg $0x60  }
0xaf: {  	[dreg:$0x2] =	wrdreg s24  }
0xb0: {  	[dreg:$0x3] =	wrdreg s2  }
0xb1: {  	[dreg:$0x4] =	wrdreg s18  }
0xb2: {  	[dreg:$0x5] =	wrdreg $0x9  }
0xb3: {  	_ =	task.clear_ibuf [dreg:s8], $0x6FFFF;
	_ =	strace $0x90000046  }
0xb4: {  	s29 =	simm.s32 $0x9;
	_ =	strace $0x80000048  }
0xb5: {  	_ =	swait.ge [sflag:s29], $0x1  }
0xb6: {  	[sflag:s29] =	ssyncadd.s32 $0xFFFFFFFF  }
0xb7: {  	_ =	strace $0x90000048  }
0xb8: {  	_ =	sfence  }
0xb9: {  	s30 =	sld [smem:$0x0];
	_ =	sdelay $0x2  }
0xba: {  	s31 =	sshll.u32 s1, $0xD;
	s1 =	sshrl.u32 s1, $0x2  }
0xbb: {  	s3 =	sand.u32 $0x4000, s31;
	s1 =	sadd.s32 s1, s30  }
0xbc: {  	s0 =	sor.u32 s3, s0;
	s1 =	sshll.u32 s1, $0x11  }
0xbd: {  	s0 =	sor.u32 s1, s0  }
0xbe: {  	s0 =	sadd.s32 $0x8F2B, s0  }
0xbf: {  	[sflag:s0] =	ssyncadd.remote.s32 $0x1  }
0xc0: {  	_ =	sfence.sel $0xFFFF  }
0xc1: {  	[dreg:$0x0] =	wrdreg $0xFFFFFFFF;
	(pc) =	sbr.abs _section_cstart, $3  }
0xc2: {  	[dreg:$0x1] =	wrdreg $0xFFFFFFFF  }
0xc3: {  	_ =	task.clear_ibuf [dreg:s8], $0x2FFFF;
	_ =	strace $0x9FFFFFFF  }
0xc4: {  	(tm) =	ssettm $0x7FFFFFFF  }
0xc5: {  	_ =	shalt  }
tec
execute0_lowered:
.L_overlay_start_1:
0x0: {  	(tag) =	ssettag $0x1  }
0x1: {  	s4 =	rddreg [dreg:$0x0]  }
0x2: {  	s1 =	srdreg.scid;
	s6 =	rddreg [dreg:$0x1]  }
0x3: {  	s0 =	stileid.u32;
	s2 =	rddreg [dreg:$0x2];
	s3 =	simm.s32 $0x0  }
0x4: {  	s12 =	simm.s32 $0x4F00;
	s13 =	simm.s32 $0x7780;
	s14 =	simm.s32 $0x7680  }
0x5: {  	s15 =	simm.s32 $0x7700;
	s5 =	sand.u32 $0x1, s1;
	s31 =	sshll.u32 s0, $0x1  }
0x6: {  	s16 =	simm.s32 $0x0;
	s1 =	rddreg [dreg:$0x3];
	s7 =	sor.u32 s5, s31  }
0x7: {  	[smem:$0x7FF] =	sst s3;
	s5 =	ssub.s32 $0x2, s5;
	s8 =	smul.u32 $0x2710, s7  }
0x8: {  	_ =	strace $0x80000047;
	s7 =	sshll.u32 s7, $0x1;
	s10 =	sshrl.u32 s5, $0x1  }
0x9: {  	s11 =	sadd.s32 s7, s4;
	s10 =	ssub.s32 s5, s10;
	s8 =	sshrl.u32 s8, $0x3  }
0xa: {  	s7 =	sadd.s32 $0x15A00, s11;
	s9 =	sadd.s32 s8, s4;
	s6 =	sadd.s32 s6, s8  }
0xb: {  	s8 =	sadd.s32 $0x15800, s11;
	s11 =	simm.s32 $0x2780;
	s4 =	sadd.s32 $0xBA40, s9  }
0xc: {  	v0 =	vimm.s32 $0xFFFFFFFF;
	v1 =	vimm.f32 $0.0e+00;
	v2 =	vimm.s32 $0x0;
	s5 =	sadd.s32 $0x1E00, s9;
	s9 =	smax.u32 s10, $0x1;
	s10 =	simm.s32 $0x1  }
.LBB2_1:
0xd: {  	[tilespmem:s3], [sflag:$0x1] =	stream.linear.gather [hbm4b:s4+s3], $0x2710, $0x38;
	[tilespmem:$0x7800] =	vst v63  }
0xe: {  	_ =	swait.ge [sflag:s10], $0x2710  }
0xf: {  	[sflag:s10] =	ssyncset.done $0x0  }
0x10: {  	[sflag:s10] =	ssyncadd.s32 $0xFFFFD8F0  }
0x11: {  	[tilespmem:s11], [sflag:$0x1] =	stream.linear.gather [hbm4b:s5+s3], $0x2710, $0x38;
	[tilespmem:$0x7800] =	vst v63  }
0x12: {  	_ =	swait.ge [sflag:s10], $0x2710  }
0x13: {  	[sflag:s10] =	ssyncset.done $0x0  }
0x14: {  	[sflag:s10] =	ssyncadd.s32 $0xFFFFD8F0  }
0x15: {  	[tilespmem:s12], [sflag:$0x1] =	stream.linear.gather [hbm4b:s6+s3], $0x2710, $0x38;
	[tilespmem:$0x7800] =	vst v63  }
0x16: {  	_ =	swait.ge [sflag:s10], $0x2710  }
0x17: {  	[sflag:s10] =	ssyncset.done $0x0  }
0x18: {  	[sflag:s10] =	ssyncadd.s32 $0xFFFFD8F0  }
0x19: {  	[tilespmem:s13], [sflag:$0x1] =	stream.linear.gather [hbm4b:s2+s3], $0x80, $0x38;
	[tilespmem:$0x7800] =	vst v63  }
0x1a: {  	_ =	swait.ge [sflag:s10], $0x80  }
0x1b: {  	[sflag:s10] =	ssyncset.done $0x0  }
0x1c: {  	[sflag:s10] =	ssyncadd.s32 $0xFFFFFF80  }
0x1d: {  	[tilespmem:$0x7680] =	vst v0  }
0x1e: {  	[tilespmem:$0x7690] =	vst v0  }
0x1f: {  	[tilespmem:$0x7700] =	vst v1  }
0x20: {  	s17 =	simm.s32 $0x0;
	v3 =	vld [tilespmem:$0x7780];
	[tilespmem:$0x7710] =	vst v1  }
0x21: {  	v4 =	vld [tilespmem:s17+$0x0];
	_ =	sdelay $0x4  }
0x22: {  	vm0 =	veq.s32 v4, v3  }
0x23: {  	v4 =	vsel vm0, $0x1, v2  }
0x24: {  	(xrf0) =	vadd.scan.msk.s32 $0xffff, v4  }
0x25: {  	v5 =	vld [tilespmem:s17+$0x2780];
	_ =	sdelay $0x4  }
0x26: {  	[tilespmem:s3+$0x7680] =	vst.msk vm0, v5;
	v5, _, _ =	vpop (xrf0)  }
0x27: {  	v4 =	vld [tilespmem:s17+$0x4F00];
	(v2sf) =	vpush v5, $0xF;
	_ =	sdelay $0x4  }
0x28: {  	s19 =	simm.s32 $0x80;
	s18 =	simm.s32 $0x0;
	s17 =	simm.s32 $0x10;
	[tilespmem:s3+$0x7700] =	vst.msk vm0, v4  }
.LBB2_2:
0x29: {  	p0 =	sne.s32 s19, $0x9C00;
	v4 =	vld [tilespmem:s17+$0x0]  }
0x2a: {  	v5 =	vld [tilespmem:s17+$0x2780];
	_ =	sdelay $0x3  }
0x2b: {  	vm0 =	veq.s32 v4, v3  }
0x2c: {  	v4 =	vsel vm0, $0x1, v2  }
0x2d: {  	(xrf0) =	vadd.scan.msk.s32 $0xffff, v4;
	_ =	sdelay $0x1  }
0x2e: {  	s20 =	spop (v2sf)  }
0x2f: {  	s18 =	sadd.s32 s18, s20  }
0x30: {  	p1 =	slt.s32 s18, $0x10  }
0x31: {  	s18 =	simm.s32 @!p1 $0x10  }
0x32: {  	[tilespmem:s18+$0x7680] =	vst.msk vm0, v5;
	v4, _, _ =	vpop (xrf0)  }
0x33: {  	v5 =	vld [tilespmem:s17+$0x4F00];
	(v2sf) =	vpush v4, $0xF  }
.Ltmp0:
0x34: {  	(pc) =	sbr.rel @p0 .LBB2_2-.Ltmp0, $2  }
0x35: {  	_ =	sdelay $0x2  }
0x36: {  	s17 =	sshra.s32 s19, $0x2;
	s19 =	sadd.s32 $0x40, s19;
	[tilespmem:s18+$0x7700] =	vst.msk vm0, v5  }
0x37: {  	v4 =	vld [tilespmem:s17+$0x0];
	_ =	sdelay $0x4  }
0x38: {  	vm0 =	veq.s32 v4, v3  }
0x39: {  	v3 =	vsel vm0, $0x1, v2  }
0x3a: {  	(xrf0) =	vadd.scan.msk.s32 $0xffff, v3;
	_ =	sdelay $0x5  }
0x3b: {  	v3, _, _ =	vpop (xrf0)  }
0x3c: {  	(v2sf) =	vpush v3, $0xF;
	_ =	sdelay $0x1  }
0x3d: {  	v3 =	vld [tilespmem:s17+$0x2780]  }
0x3e: {  	s19 =	spop (v2sf)  }
0x3f: {  	s18 =	sadd.s32 s18, s19  }
0x40: {  	p0 =	slt.s32 s18, $0x10  }
0x41: {  	s18 =	simm.s32 @!p0 $0x10  }
0x42: {  	[tilespmem:s18+$0x7680] =	vst.msk vm0, v3  }
0x43: {  	v3 =	vld [tilespmem:s17+$0x4F00];
	_ =	sdelay $0x4  }
0x44: {  	[tilespmem:s18+$0x7700] =	vst.msk vm0, v3  }
0x45: {  	[hbm4b:s7+s3] =	stream.linear.scatter [tilespmem:s14], [sflag:$0x1], $0x10, $0x38;
	[tilespmem:$0x7800] =	vst v63  }
0x46: {  	s31 =	spop (v2sf)  }
0x47: {  	s16 =	sadd.s32 $0x1, s16;
	_ =	swait.ge [sflag:s10], $0x10  }
0x48: {  	p0 =	sne.s32 s16, s9;
	[sflag:s10] =	ssyncset.done $0x0  }
.Ltmp1:
0x49: {  	[sflag:s10] =	ssyncadd.s32 $0xFFFFFFF0;
	(pc) =	sbr.rel @p0 .LBB2_1-.Ltmp1, $4  }
0x4a: {  	[hbm4b:s8+s3] =	stream.linear.scatter [tilespmem:s15], [sflag:$0x1], $0x10, $0x38;
	[tilespmem:$0x7800] =	vst v63  }
0x4b: {  	_ =	swait.ge [sflag:s10], $0x10  }
0x4c: {  	[sflag:s10] =	ssyncset.done $0x0  }
0x4d: {  	[sflag:s10] =	ssyncadd.s32 $0xFFFFFFF0  }
0x4e: {  	_ =	sfence.sel $0x180000  }
0x4f: {  	[bflag:$0x0] =	sbarrier.arrive $0xFFFF  }
0x50: {  	p0 =	sne.s32 s0, $0x0;
	_ =	strace $0x90000047  }
0x51: {  	s0 =	sadd.s32 @!p0 $0x100000, s1;
	[bflag:$0x2] =	sbarrier.arrive $0xFFFF  }
0x52: {  	[sflag:s0] =	ssyncadd.tile.s32 @!p0 $0x1;
	_ =	shalt  }
.Lfunc_end2:
_tile_overlayer_lowered:
.L_overlay_start_2:
0x53: {  	(tag) =	ssettag $0x2  }
0x54: {  	s0 =	rddreg [dreg:$0x0];
	s2 =	stileid.u32  }
0x55: {  	s1 =	rddreg [dreg:$0x1];
	p0 =	sne.s32 s2, $0x0  }
0x56: {  	s3 =	rddreg [dreg:$0x2];
	[bflag:$0x3] =	sbarrier.arrive $0xFFFF;
	s2 =	simm.s32 @!p0 $0x1C01  }
0x57: {  	[timem:s3], [sflag:s2] =	dma.local @!p0 [hbm:s0], s1  }
0x58: {  	s0 =	simm.s32 @!p0 $0x1  }
0x59: {  	_ =	swait.ge @!p0 [sflag:s0], s1  }
0x5a: {  	s1 =	ssub.s32 @!p0 $0x0, s1;
	[sflag:s0] =	ssyncset.done @!p0 $0x0  }
0x5b: {  	[sflag:s0] =	ssyncadd.s32 @!p0 s1  }
0x5c: {  	[bflag:$0x3] =	sbarrier.arrive $0xFFFF  }
0x5d: {  	_ =	shalt  }

// kernel: kernel.8.cloned.1.call-start
scs
__scs_entry_jumppad:
0x0: {  	(pc) =	sbr.rel $0x88, $3  }
0x1: {  	(tag) =	ssettag $0x0;
	lr =	simm.s32 $0x1  }
0x2: {  	[smem:$0x3F9A] =	sst lr;
	_ =	strace $0xD0000000  }
0x3: {  	_ = 	snop  }
0x4: {  	_ = 	snop  }
0x5: {  	_ = 	snop  }
0x6: {  	_ = 	snop  }
0x7: {  	_ = 	snop  }
__scs_overlays_trampoline_lowered:
0x8: {  	[smem:$0x3FA9] =	sst s0  }
0x9: {  	[smem:$0x3FAA] =	sst s1  }
0xa: {  	[smem:$0x3FAB] =	sst s2  }
0xb: {  	[smem:$0x3FAC] =	sst s3  }
0xc: {  	[smem:$0x3FAD] =	sst s4  }
0xd: {  	[smem:$0x3FAE] =	sst s5  }
0xe: {  	[smem:$0x3FAF] =	sst s6  }
0xf: {  	[smem:$0x3FB0] =	sst s7  }
0x10: {  	[smem:$0x3FB1] =	sst s8  }
0x11: {  	[smem:$0x3FB2] =	sst s9;
	s0 =	simm.s32 @!p0 $0x0  }
0x12: {  	s1 =	sld [smem:$0x3F98];
	s0 =	simm.s32 @p0 $0x1  }
0x13: {  	[smem:$0x3FB3] =	sst s0;
	s0 =	simm.s32 @!p1 $0x0  }
0x14: {  	s2 =	sld [smem:$0x3F97];
	s0 =	simm.s32 @p1 $0x1  }
0x15: {  	[smem:$0x3FB4] =	sst s0;
	s0 =	simm.s32 @!p2 $0x0  }
0x16: {  	s3 =	sld [smem:$0x3FDB];
	s0 =	simm.s32 @p2 $0x1  }
0x17: {  	s4 =	simm.s32 $0x1BF5;
	[smem:$0x3FB6] =	sst s0  }
0x18: {  	s0 =	sld [smem:$0x3F99];
	_ =	swait.ge [sflag:s4], $0x0  }
0x19: {  	s7 =	sld [smem:$0x3F9A]  }
0x1a: {  	s8 =	sadd.s32 $0xFFFFE003, lr  }
0x1b: {  	s9 =	sadd.s32 $0xFFFFFEF7, lr;
	s5 =	simm.s32 $0xFFFFFFFF;
	p2 =	slt.u32 s8, $0xFFFFF086  }
0x1c: {  	p1 =	slt.u32 s9, $0xF7A;
	s5 =	simm.s32 @!p2 $0x0  }
0x1d: {  	s5 =	simm.s32 @p1 $0x1;
	p0 =	seq.s32 s7, s2  }
0x1e: {  	s7 =	smul.u32 @!p0 $0xF7A, s2;
	p2 =	seq.s32 @!p0 s5, $0x0  }
0x1f: {  	s9 =	smul.u32 $0xF7A, s1;
	s8 =	simm.s32 @!p0 $0x1BF5;
	p2 =	por !p2, p0  }
0x20: {  	[sflag:s8] =	ssyncset.s32 @!p0 $0xFFFFF086;
	s6 =	sadd.s32 @!p0 s3, s7;
	s7 =	simm.s32 @!p0 $0x108  }
0x21: {  	s3 =	sadd.s32 s3, s9;
	s6 =	sadd.s32 @!p0 $0x88, s6;
	s7 =	simm.s32 @p2 $0x1082  }
0x22: {  	[simem:s7], [sflag:s8] =	dma.local @!p0 [hbm:s6], $0xF7A  }
0x23: {  	s9 =	sor.u32 $0xD0000000, s2;
	s6 =	simm.s32 $0x108;
	_ =	swait.ge @!p0 [sflag:s8], $0x0  }
0x24: {  	s3 =	sadd.s32 $0x88, s3;
	s6 =	simm.s32 @!p1 $0x1082;
	[sflag:s4] =	ssyncset.s32 $0xFFFFF086  }
0x25: {  	[simem:s6], [sflag:s4] =	dma.local [hbm:s3], $0xF7A  }
0x26: {  	[smem:$0x3F9A] =	sst s1;
	(tag) =	ssettag s2;
	_ =	strace s9  }
0x27: {  	s1 =	sld [smem:$0x3FAA]  }
0x28: {  	s2 =	sld [smem:$0x3FAB]  }
0x29: {  	s4 =	sld [smem:$0x3FAD]  }
0x2a: {  	p0 =	seq.s32 s5, $0x0;
	s5 =	sld [smem:$0x3FAE]  }
0x2b: {  	s6 =	sld [smem:$0x3FAF]  }
0x2c: {  	s7 =	sld [smem:$0x3FB0]  }
0x2d: {  	s3 =	simm.s32 $0x108;
	s8 =	sld [smem:$0x3FB1]  }
0x2e: {  	s3 =	simm.s32 @!p0 $0x1082;
	s9 =	sld [smem:$0x3FB2]  }
0x2f: {  	lr =	sadd.s32 s0, s3;
	s0 =	sld [smem:$0x3FA9]  }
0x30: {  	s3 =	sld [smem:$0x3FAC]  }
0x31: {  	[smem:$0x3FB5] =	sst s10  }
0x32: {  	s10 =	sld [smem:$0x3FB3];
	_ =	sdelay $0x3  }
0x33: {  	p0 =	seq.s32 s10, $0x1;
	s10 =	sld [smem:$0x3FB5];
	_ =	sdelay $0x3  }
0x34: {  	[smem:$0x3FB5] =	sst s10  }
0x35: {  	s10 =	sld [smem:$0x3FB4];
	_ =	sdelay $0x3  }
0x36: {  	p1 =	seq.s32 s10, $0x1;
	s10 =	sld [smem:$0x3FB5];
	_ =	sdelay $0x3  }
0x37: {  	[smem:$0x3FB5] =	sst s10  }
0x38: {  	s10 =	sld [smem:$0x3FB6]  }
0x39: {  	_ = 	snop;
	(pc) =	sbr.ind lr, $3  }
0x3a: {  	_ = 	snop  }
0x3b: {  	_ = 	snop  }
0x3c: {  	p2 =	seq.s32 s10, $0x1;
	s10 =	sld [smem:$0x3FB5]  }
0x3d: {  	_ =	shalt  }
0x3e: {  	_ =	shalt  }
0x3f: {  	_ =	shalt  }
0x40: {  	_ =	shalt  }
0x41: {  	_ =	shalt  }
0x42: {  	_ =	shalt  }
0x43: {  	_ =	shalt  }
0x44: {  	_ =	shalt  }
0x45: {  	_ =	shalt  }
0x46: {  	_ =	shalt  }
0x47: {  	_ =	shalt  }
0x48: {  	_ =	shalt  }
0x49: {  	_ =	shalt  }
0x4a: {  	_ =	shalt  }
0x4b: {  	_ =	shalt  }
0x4c: {  	_ =	shalt  }
0x4d: {  	_ =	shalt  }
0x4e: {  	_ =	shalt  }
0x4f: {  	_ =	shalt  }
0x50: {  	_ =	shalt  }
0x51: {  	_ =	shalt  }
0x52: {  	_ =	shalt  }
0x53: {  	_ =	shalt  }
0x54: {  	_ =	shalt  }
0x55: {  	_ =	shalt  }
0x56: {  	_ =	shalt  }
0x57: {  	_ =	shalt  }
0x58: {  	_ =	shalt  }
0x59: {  	_ =	shalt  }
0x5a: {  	_ =	shalt  }
0x5b: {  	_ =	shalt  }
0x5c: {  	_ =	shalt  }
0x5d: {  	_ =	shalt  }
0x5e: {  	_ =	shalt  }
0x5f: {  	_ =	shalt  }
0x60: {  	_ =	shalt  }
0x61: {  	_ =	shalt  }
0x62: {  	_ =	shalt  }
0x63: {  	_ =	shalt  }
0x64: {  	_ =	shalt  }
0x65: {  	_ =	shalt  }
0x66: {  	_ =	shalt  }
0x67: {  	_ =	shalt  }
0x68: {  	_ =	shalt  }
0x69: {  	_ =	shalt  }
0x6a: {  	_ =	shalt  }
0x6b: {  	_ =	shalt  }
0x6c: {  	_ =	shalt  }
0x6d: {  	_ =	shalt  }
0x6e: {  	_ =	shalt  }
0x6f: {  	_ =	shalt  }
0x70: {  	_ =	shalt  }
0x71: {  	_ =	shalt  }
0x72: {  	_ =	shalt  }
0x73: {  	_ =	shalt  }
0x74: {  	_ =	shalt  }
0x75: {  	_ =	shalt  }
0x76: {  	_ =	shalt  }
0x77: {  	_ =	shalt  }
0x78: {  	_ =	shalt  }
0x79: {  	_ =	shalt  }
0x7a: {  	_ =	shalt  }
0x7b: {  	_ =	shalt  }
0x7c: {  	_ =	shalt  }
0x7d: {  	_ =	shalt  }
0x7e: {  	_ =	shalt  }
0x7f: {  	_ =	shalt  }
0x80: {  	_ =	shalt  }
0x81: {  	_ =	shalt  }
0x82: {  	_ =	shalt  }
0x83: {  	_ =	shalt  }
0x84: {  	_ =	shalt  }
0x85: {  	_ =	shalt  }
0x86: {  	_ =	shalt  }
0x87: {  	_ =	shalt  }
.Lfunc_end0:
.L_simem_size_0:
called_computation.1_lowered:
.L_overlay_start_0:
0x88: {  	s2 =	sld [smem:$0x3FD9]  }
0x89: {  	s3 =	sld [smem:$0x3FFE];
	_ =	sdelay $0x1  }
0x8a: {  	s1 =	srdreg.scid  }
0x8b: {  	s0 =	sand.u32 $0x1, s1  }
0x8c: {  	s17 =	sshll.u32 s0, $0xA;
	s2 =	sadd.s32 s3, s2  }
0x8d: {  	s2 =	sadd.s32 s2, s17  }
0x8e: {  	[smem:$0x3FC1] =	sst s2  }
0x8f: {  	_ = 	snop  }
0x90: {  	s2 =	sld [smem:$0x3FC9]  }
0x91: {  	s18 =	sld [smem:$0x3FC5];
	(tm) =	ssettm $0x1  }
0x92: {  	s4 =	sld [smem:$0x3FFB];
	_ =	sdelay $0x3  }
0x93: {  	_ =	strace s4  }
0x94: {  	s4 =	sld [smem:$0x3FFC];
	_ =	sdelay $0x3  }
0x95: {  	_ =	strace s4  }
0x96: {  	s4 =	sld [smem:$0x3FFD];
	_ =	sdelay $0x3  }
0x97: {  	_ =	strace s4  }
0x98: {  	_ =	strace $0x8FFFFFFF  }
0x99: {  	s19 =	sld [smem:$0x3FDB];
	_ =	sdelay $0x1  }
0x9a: {  	s5 =	simm.s32 $_scs_section_size  }
0x9b: {  	s6 =	simm.s32 $_size__tile_overlayer_lowered;
	s7 =	simm.s32 $_tile_overlayer_lowered  }
0x9c: {  	s22 =	simm.s32 $0x1BFF;
	s21 =	sshll.u32 s7, $0x1;
	s4 =	sadd.s32 s5, s19  }
0x9d: {  	s8 =	simm.s32 $0x0;
	s20 =	sshll.u32 s6, $0x1;
	s6 =	sadd.s32 s21, s4  }
0x9e: {  	[timem:s8], [sflag:s22] =	dma.local [hbm:s6], s20  }
0x9f: {  	_ =	swait.ge [sflag:s22], s20  }
0xa0: {  	s5 =	ssub.s32 $0x0, s20;
	[sflag:s22] =	ssyncset.done $0x0  }
0xa1: {  	[sflag:s22] =	ssyncadd.s32 s5;
	_ =	sdelay $0x1  }
0xa2: {  	s23 =	simm.s32 $0x1B8B  }
0xa3: {  	_ =	swait.ge [sflag:s23], $0x1  }
0xa4: {  	[sflag:s23] =	ssyncset.done $0x0  }
0xa5: {  	s25 =	simm.s32 $0x1B8E;
	s24 =	sld [smem:$0x3FFE];
	[sflag:s23] =	ssyncadd.s32 $0xFFFFFFFF  }
0xa6: {  	s26 =	simm.s32 $execute0_lowered;
	[smem:$0x3FD2] =	sst s25  }
0xa7: {  	s6 =	sshll.u32 s26, $0x1;
	_ =	strace $0x80000049;
	[dreg:$0x1] =	wrdreg $0xFFFFFFFF  }
0xa8: {  	s28 =	simm.s32 $_size_execute0_lowered;
	s4 =	sadd.s32 s4, s6;
	[dreg:$0x0] =	wrdreg $0x0  }
0xa9: {  	s6 =	sshll.u32 s28, $0x1;
	[dreg:$0x2] =	wrdreg s4  }
0xaa: {  	[dreg:$0x3] =	wrdreg s6  }
0xab: {  	[dreg:$0x4] =	wrdreg $0xC0  }
0xac: {  	_ =	task [dreg:s8], $0x5FFFF  }
0xad: {  	[dreg:$0x1] =	wrdreg $0xFFFFFFFF  }
0xae: {  	[dreg:$0x0] =	wrdreg $0x60  }
0xaf: {  	[dreg:$0x2] =	wrdreg s24  }
0xb0: {  	[dreg:$0x3] =	wrdreg s18  }
0xb1: {  	[dreg:$0x4] =	wrdreg s2  }
0xb2: {  	[dreg:$0x5] =	wrdreg $0xF7800  }
0xb3: {  	[dreg:$0x6] =	wrdreg $0x10B800  }
0xb4: {  	[dreg:$0x7] =	wrdreg $0x9  }
0xb5: {  	_ =	task.clear_ibuf [dreg:s8], $0x8FFFF;
	_ =	strace $0x90000049  }
0xb6: {  	s29 =	simm.s32 $0x9;
	_ =	strace $0x80000054  }
0xb7: {  	_ =	swait.ge [sflag:s29], $0x1  }
0xb8: {  	[sflag:s29] =	ssyncadd.s32 $0xFFFFFFFF  }
0xb9: {  	_ =	strace $0x90000054  }
0xba: {  	_ =	sfence  }
0xbb: {  	s30 =	sld [smem:$0x0];
	_ =	sdelay $0x2  }
0xbc: {  	s31 =	sshll.u32 s1, $0xD;
	s1 =	sshrl.u32 s1, $0x2  }
0xbd: {  	s3 =	sand.u32 $0x4000, s31;
	s1 =	sadd.s32 s1, s30  }
0xbe: {  	s0 =	sor.u32 s3, s0;
	s1 =	sshll.u32 s1, $0x11  }
0xbf: {  	s0 =	sor.u32 s1, s0  }
0xc0: {  	s0 =	sadd.s32 $0x8F2B, s0  }
0xc1: {  	[sflag:s0] =	ssyncadd.remote.s32 $0x1  }
0xc2: {  	_ =	sfence.sel $0xFFFF  }
0xc3: {  	[dreg:$0x0] =	wrdreg $0xFFFFFFFF;
	(pc) =	sbr.abs _section_cstart, $3  }
0xc4: {  	[dreg:$0x1] =	wrdreg $0xFFFFFFFF  }
0xc5: {  	_ =	task.clear_ibuf [dreg:s8], $0x2FFFF;
	_ =	strace $0x9FFFFFFF  }
0xc6: {  	(tm) =	ssettm $0x7FFFFFFF  }
0xc7: {  	_ =	shalt  }
tec
execute0_lowered:
.L_overlay_start_1:
0x0: {  	(tag) =	ssettag $0x1  }
0x1: {  	s2 =	rddreg [dreg:$0x0]  }
0x2: {  	s3 =	rddreg [dreg:$0x1]  }
0x3: {  	s1 =	rddreg [dreg:$0x2]  }
0x4: {  	s4 =	srdreg.scid;
	s11 =	rddreg [dreg:$0x3]  }
0x5: {  	s0 =	stileid.u32;
	s13 =	rddreg [dreg:$0x4];
	s19 =	simm.s32 $0xE180  }
0x6: {  	s20 =	simm.s32 $0x2;
	s21 =	simm.s32 $0x1;
	s22 =	simm.s32 $0x7680  }
0x7: {  	s23 =	simm.s32 $0x10;
	s16 =	simm.s32 $0xC980;
	s17 =	simm.s32 $0xF680  }
0x8: {  	s18 =	simm.s32 $0xD180;
	s24 =	simm.s32 $0xF700;
	s28 =	simm.s32 $0x80  }
0x9: {  	s29 =	simm.s32 $0xA080;
	s4 =	sand.u32 $0x1, s4;
	s5 =	sshll.u32 s0, $0x1  }
0xa: {  	s30 =	simm.s32 $0x0;
	s12 =	sshll.u32 s0, $0xC;
	s6 =	sor.u32 s4, s5  }
0xb: {  	s5 =	simm.s32 $0x0;
	s25 =	sshll.u32 s4, $0x10;
	s10 =	ssub.s32 $0x2, s4  }
0xc: {  	s11 =	sadd.s32 s12, s11;
	s31 =	sor.u32 s4, s0;
	s4 =	simm.s32 $0xF600  }
0xd: {  	s6 =	smul.u32 $0x2710, s6;
	[smem:$0x7FF] =	sst s5;
	s8 =	sor.u32 s12, s25  }
0xe: {  	v0 =	vlaneseq.u32;
	s26 =	sshrl.u32 s10, $0x1;
	s12 =	sadd.s32 s12, s13;
	p0 =	sne.s32 s31, $0x0  }
0xf: {  	v1 =	vimm.f32 $0.0e+00;
	v2 =	vimm.s32 $0xFFFFFFFF;
	v18 =	vimm.s32 $0x0;
	s25 =	simm.s32 $0xA180;
	_ =	strace $0x8000004A;
	s8 =	sshrl.u32 s8, $0x3  }
.Ltmp0:
0x10: {  	v3 =	vor.u32 $0x200, v0;
	v4 =	vor.u32 $0x10, v0;
	v5 =	vor.u32 $0x210, v0;
	s7 =	sshrl.u32 s6, $0x3;
	s6 =	sadd.s32 $0x15A00, s2;
	(pc) =	sbr.rel .LBB2_1-.Ltmp0, $4  }
0x11: {  	v6 =	vor.u32 $0x20, v0;
	v7 =	vor.u32 $0x220, v0;
	v8 =	vor.u32 $0x30, v0;
	s14 =	sadd.s32 s8, s2;
	s9 =	sadd.s32 s7, s2;
	s2 =	sadd.s32 $0x15C00, s2  }
0x12: {  	v9 =	vor.u32 $0x230, v0;
	v10 =	vor.u32 $0x40, v0;
	v11 =	vor.u32 $0x240, v0;
	s13 =	sadd.s32 $0x15E00, s14;
	s14 =	sadd.s32 $0x19E00, s14;
	[dreg:$0x6] =	wrdreg s2  }
0x13: {  	v12 =	vor.u32 $0x50, v0;
	v13 =	vor.u32 $0x250, v0;
	v14 =	vor.u32 $0x60, v0;
	s2 =	ssub.s32 s10, s26;
	s8 =	sadd.s32 $0xBA40, s9;
	s9 =	sadd.s32 $0x1E00, s9  }
0x14: {  	v15 =	vor.u32 $0x260, v0;
	v16 =	vor.u32 $0x70, v0;
	v17 =	vor.u32 $0x270, v0;
	s10 =	sadd.s32 s3, s7;
	s26 =	simm.s32 $0xD980;
	s15 =	smax.u32 s2, $0x1  }
.LBB2_14:
0x15: {  	v23 =	vld [tilespmem:s31+$0x9E00]  }
0x16: {  	v20 =	vshra.s32 v20, $0x1F  }
0x17: {  	v20 =	vor.u32 v22, v20  }
0x18: {  	[tilespmem:s7+$0xF180] =	vst v20  }
0x19: {  	v20 =	vld.idx.msk [tilespmem:v21+s22+$0x0], $0xffff  }
0x1a: {  	vm0 =	vgt.s32 v23, $0x0  }
0x1b: {  	v63 =	vnsel vm0, $0x0, v23;
	_ =	sdelay $0x1  }
0x1c: {  	v19 =	vshra.s32 v19, $0x1F  }
0x1d: {  	v19 =	vor.u32 v20, v19  }
0x1e: {  	[tilespmem:s2+$0xF180] =	vst v19  }
0x1f: {  	v19 =	vld.idx.msk [tilespmem:v63+s22+$0x0], $0xffff;
	_ =	sdelay $0x3  }
0x20: {  	v20 =	vshra.s32 v23, $0x1F  }
0x21: {  	v19 =	vor.u32 v19, v20  }
0x22: {  	s3 =	simm.s32 $0xF180;
	[tilespmem:s31+$0xF180] =	vst v19;
	s31 =	rddreg [dreg:$0x6]  }
0x23: {  	[hbm4b:s31+s5] =	stream.linear.scatter [tilespmem:s3], [sflag:$0x2], $0x200, $0x38;
	[tilespmem:$0x11F80] =	vst v63  }
0x24: {  	_ =	swait.ge [sflag:s20], $0x200  }
0x25: {  	[sflag:s20] =	ssyncset.done $0x0  }
0x26: {  	[sflag:s20] =	ssyncadd.s32 $0xFFFFFE00  }
.LBB2_15:
0x27: {  	s30 =	sadd.s32 $0x1, s30  }
0x28: {  	p1 =	sne.s32 s30, s15  }
.Ltmp1:
0x29: {  	_ = 	snop;
	(pc) =	sbr.rel @!p1 .LBB2_16-.Ltmp1, $1  }
0x2a: {  	_ =	sdelay $0x3  }
.LBB2_1:
0x2b: {  	[tilespmem:s5], [sflag:$0x1] =	stream.linear.gather [hbm4b:s8+s5], $0x2710, $0x38;
	[tilespmem:$0x11F80] =	vst v63  }
0x2c: {  	s2 =	simm.s32 $0x2780  }
0x2d: {  	[tilespmem:s2], [sflag:$0x1] =	stream.linear.gather [hbm4b:s9+s5], $0x2710, $0x38;
	[tilespmem:$0x11F80] =	vst v63  }
0x2e: {  	s7 =	simm.s32 $0x4F00  }
0x2f: {  	[tilespmem:s7], [sflag:$0x1] =	stream.linear.gather [hbm4b:s10+s5], $0x2710, $0x38;
	[tilespmem:$0x11F80] =	vst v63  }
0x30: {  	s31 =	simm.s32 $0x9E00;
	s3 =	simm.s32 $0x200;
	s2 =	simm.s32 $0x0  }
0x31: {  	[tilespmem:s31], [sflag:$0x1] =	stream.linear.gather [hbm4b:s6+s5], $0x200, $0x38;
	[tilespmem:$0x11F80] =	vst v63  }
.LBB2_2:
0x32: {  	p1 =	sne.s32 s3, $0x3E00;
	[tilespmem:s2+$0xE1F0] =	vst v1  }
0x33: {  	[tilespmem:s2+$0xE180] =	vst v1  }
0x34: {  	[tilespmem:s2+$0xE190] =	vst v1  }
.Ltmp2:
0x35: {  	[tilespmem:s2+$0xE1A0] =	vst v1;
	(pc) =	sbr.rel @p1 .LBB2_2-.Ltmp2, $4  }
0x36: {  	[tilespmem:s2+$0xE1B0] =	vst v1  }
0x37: {  	[tilespmem:s2+$0xE1C0] =	vst v1  }
0x38: {  	[tilespmem:s2+$0xE1D0] =	vst v1  }
0x39: {  	[tilespmem:s2+$0xE1E0] =	vst v1;
	s2 =	sshra.s32 s3, $0x2;
	s3 =	sadd.s32 $0x200, s3  }
0x3a: {  	[tilespmem:s2+$0xE1F0] =	vst v1  }
0x3b: {  	[tilespmem:s2+$0xE180] =	vst v1  }
0x3c: {  	[tilespmem:s2+$0xE190] =	vst v1  }
0x3d: {  	[tilespmem:s2+$0xE1A0] =	vst v1  }
0x3e: {  	[tilespmem:s2+$0xE1B0] =	vst v1  }
0x3f: {  	[tilespmem:s2+$0xE1C0] =	vst v1  }
0x40: {  	[tilespmem:s2+$0xE1D0] =	vst v1  }
0x41: {  	[tilespmem:s2+$0xE1E0] =	vst v1  }
0x42: {  	[spmem:s11] =	stream.linear.scatter [tilespmem:s19], [sflag:$0x2], $0x1000, $0x38;
	[tilespmem:$0x11F80] =	vst v63  }
0x43: {  	_ =	swait.ge [sflag:s20], $0x1000  }
0x44: {  	[sflag:s20] =	ssyncset.done $0x0  }
0x45: {  	[sflag:s20] =	ssyncadd.s32 $0xFFFFF000  }
0x46: {  	[spmem:s12] =	stream.linear.scatter [tilespmem:s19], [sflag:$0x2], $0x1000, $0x38;
	[tilespmem:$0x11F80] =	vst v63  }
0x47: {  	_ =	swait.ge [sflag:s20], $0x1000  }
0x48: {  	[sflag:s20] =	ssyncset.done $0x0  }
0x49: {  	s2 =	simm.s32 $0x40;
	s3 =	simm.s32 $0x0;
	[sflag:s20] =	ssyncadd.s32 $0xFFFFF000  }
.LBB2_4:
0x4a: {  	p1 =	sne.s32 s2, $0x9C00;
	[tilespmem:s3+$0x7680] =	vst v2;
	s3 =	smov.u32 s2;
	s2 =	sadd.s32 $0x40, s2  }
.Ltmp3:
0x4b: {  	(pc) =	sbr.rel @p1 .LBB2_4-.Ltmp3, $2  }
0x4c: {  	_ =	sdelay $0x2  }
0x4d: {  	s3 =	sshra.s32 s3, $0x2  }
0x4e: {  	[tilespmem:s3+$0x7680] =	vst v2  }
0x4f: {  	_ =	swait.ge [sflag:s21], $0x200  }
0x50: {  	[sflag:s21] =	ssyncset.done $0x0  }
0x51: {  	s7 =	simm.s32 $0x0;
	[sflag:s21] =	ssyncadd.s32 $0xFFFFFE00  }
0x52: {  	s31 =	simm.s32 $0x1;
	s2 =	sand.u32 $0x1F0, s7;
	_ =	strace $0x8000004B  }
.LBB2_6:
0x53: {  	p1 =	sne.s32 s31, $0x1FF;
	v19 =	vld [tilespmem:s2+$0x9E00];
	_ =	sdelay $0x2  }
0x54: {  	s3 =	sand.u32 $0xF, s7;
	s7 =	smov.u32 s31  }
0x55: {  	v20 =	vmov s3  }
0x56: {  	vm0 =	veq.s32 v20, v0;
	vm1 =	vgt.s32 v19, $0xFFFFFFFF  }
0x57: {  	vm0 =	vmand vm0, vm1;
	vm1 =	vgt.s32 v19, $0x0  }
0x58: {  	v19 =	vnsel vm1, $0x0, v19  }
.Ltmp4:
0x59: {  	(pc) =	sbr.rel @p1 .LBB2_6-.Ltmp4, $3  }
0x5a: {  	_ =	sdelay $0x1  }
0x5b: {  	v20 =	vor.u32 s2, v0  }
0x5c: {  	s31 =	sadd.s32 $0x1, s31;
	s2 =	sand.u32 $0x1F0, s7;
	[tilespmem:v19+s22+$0x0] =	vst.idx.msk vm0, v20  }
0x5d: {  	v19 =	vld [tilespmem:s2+$0x9E00];
	_ =	sdelay $0x2  }
0x5e: {  	s3 =	sand.u32 $0xF, s7  }
0x5f: {  	v20 =	vmov s3  }
0x60: {  	vm0 =	veq.s32 v20, v0;
	vm1 =	vgt.s32 v19, $0xFFFFFFFF  }
0x61: {  	vm14 =	vgt.s32 v19, $0x0;
	vm0 =	vmand vm0, vm1  }
0x62: {  	v19 =	vnsel vm14, $0x0, v19;
	_ =	sdelay $0x3  }
0x63: {  	v20 =	vor.u32 s2, v0  }
0x64: {  	[tilespmem:v19+s22+$0x0] =	vst.idx.msk vm0, v20  }
0x65: {  	_ =	strace $0x9000004B;
	[tilespmem:$0xA000] =	vst v0  }
0x66: {  	[tilespmem:$0xA080] =	vst v3  }
0x67: {  	[tilespmem:$0xA100] =	vst v1  }
0x68: {  	[tilespmem:$0xA010] =	vst v4  }
0x69: {  	[tilespmem:$0xA090] =	vst v5  }
0x6a: {  	[tilespmem:$0xA110] =	vst v1  }
0x6b: {  	[tilespmem:$0xA020] =	vst v6  }
0x6c: {  	[tilespmem:$0xA0A0] =	vst v7  }
0x6d: {  	[tilespmem:$0xA120] =	vst v1  }
0x6e: {  	[tilespmem:$0xA030] =	vst v8  }
0x6f: {  	[tilespmem:$0xA0B0] =	vst v9  }
0x70: {  	[tilespmem:$0xA130] =	vst v1  }
0x71: {  	[tilespmem:$0xA040] =	vst v10  }
0x72: {  	[tilespmem:$0xA0C0] =	vst v11  }
0x73: {  	[tilespmem:$0xA140] =	vst v1  }
0x74: {  	[tilespmem:$0xA050] =	vst v12  }
0x75: {  	[tilespmem:$0xA0D0] =	vst v13  }
0x76: {  	[tilespmem:$0xA150] =	vst v1  }
0x77: {  	[tilespmem:$0xA060] =	vst v14  }
0x78: {  	[tilespmem:$0xA0E0] =	vst v15  }
0x79: {  	[tilespmem:$0xA160] =	vst v1  }
0x7a: {  	[tilespmem:$0xA070] =	vst v16  }
0x7b: {  	[tilespmem:$0xA0F0] =	vst v17  }
0x7c: {  	[tilespmem:$0xA170] =	vst v1  }
0x7d: {  	_ =	strace $0x8000004C  }
0x7e: {  	_ =	swait.ge [sflag:s21], $0x2710  }
0x7f: {  	[sflag:s21] =	ssyncset.done $0x0  }
0x80: {  	[sflag:s21] =	ssyncadd.s32 $0xFFFFD8F0  }
0x81: {  	_ =	swait.ge [sflag:s21], $0x2710  }
0x82: {  	[sflag:s21] =	ssyncset.done $0x0  }
0x83: {  	[sflag:s21] =	ssyncadd.s32 $0xFFFFD8F0  }
0x84: {  	_ =	swait.ge [sflag:s21], $0x2710  }
0x85: {  	[sflag:s21] =	ssyncset.done $0x0  }
0x86: {  	[sflag:s21] =	ssyncadd.s32 $0xFFFFD8F0  }
0x87: {  	s7 =	simm.s32 $0x0;
	_ =	strace $0x9000004C  }
0x88: {  	v19 =	vld [tilespmem:s7+$0x0];
	_ =	sdelay $0x7  }
0x89: {  	v19 =	vld.idx.msk [tilespmem:v19+s22+$0x0], $0xffff;
	_ =	sdelay $0x2  }
0x8a: {  	v20 =	vld [tilespmem:s7+$0x2780];
	_ =	sdelay $0x1  }
0x8b: {  	vm15 =	vgt.s32 v19, $0xFFFFFFFF  }
0x8c: {  	v21 =	vsel vm15, $0x1, v18  }
0x8d: {  	s2 =	simm.s32 $0x0;
	(xrf0) =	vadd.scan.msk.s32 $0xffff, v21  }
0x8e: {  	[tilespmem:s2+$0xA000] =	vst.msk vm15, v20  }
0x8f: {  	[tilespmem:s2+$0xA080] =	vst.msk vm15, v19  }
0x90: {  	v19 =	vld [tilespmem:s7+$0x4F00];
	_ =	sdelay $0x2  }
0x91: {  	v20, _, _ =	vpop (xrf0)  }
0x92: {  	(v2sf) =	vpush v20, $0xF  }
0x93: {  	s31 =	simm.s32 $0x80;
	s7 =	simm.s32 $0x10;
	[tilespmem:s2+$0xA100] =	vst.msk vm15, v19  }
.LBB2_8:
0x94: {  	p1 =	sne.s32 s31, $0x9C00;
	v19 =	vld [tilespmem:s7+$0x0]  }
0x95: {  	v20 =	vld [tilespmem:s7+$0x2780];
	_ =	sdelay $0x6  }
0x96: {  	v19 =	vld.idx.msk [tilespmem:v19+s22+$0x0], $0xffff;
	_ =	sdelay $0x4  }
0x97: {  	s3 =	spop (v2sf)  }
0x98: {  	vm0 =	vgt.s32 v19, $0xFFFFFFFF;
	s2 =	sadd.s32 s2, s3  }
0x99: {  	v21 =	vsel vm0, $0x1, v18;
	p2 =	slt.s32 s2, $0x70  }
0x9a: {  	(xrf0) =	vadd.scan.msk.s32 $0xffff, v21;
	s2 =	simm.s32 @!p2 $0x70  }
0x9b: {  	[tilespmem:s2+$0xA000] =	vst.msk vm0, v20  }
0x9c: {  	[tilespmem:s2+$0xA080] =	vst.msk vm0, v19  }
0x9d: {  	v19 =	vld [tilespmem:s7+$0x4F00]  }
.Ltmp5:
0x9e: {  	(pc) =	sbr.rel @p1 .LBB2_8-.Ltmp5, $4  }
0x9f: {  	_ = 	snop  }
0xa0: {  	v20, _, _ =	vpop (xrf0)  }
0xa1: {  	(v2sf) =	vpush v20, $0xF  }
0xa2: {  	s7 =	sshra.s32 s31, $0x2;
	s31 =	sadd.s32 $0x40, s31;
	[tilespmem:s2+$0xA100] =	vst.msk vm0, v19  }
0xa3: {  	_ =	sdelay $0x2  }
0xa4: {  	v19 =	vld [tilespmem:s7+$0x0];
	_ =	sdelay $0x7  }
0xa5: {  	v19 =	vld.idx.msk [tilespmem:v19+s22+$0x0], $0xffff  }
0xa6: {  	v20 =	vld [tilespmem:s7+$0x2780]  }
0xa7: {  	s3 =	spop (v2sf)  }
0xa8: {  	s2 =	sadd.s32 s2, s3  }
0xa9: {  	p1 =	slt.s32 s2, $0x70  }
0xaa: {  	vm0 =	vgt.s32 v19, $0xFFFFFFFF;
	s2 =	simm.s32 @!p1 $0x70  }
0xab: {  	[tilespmem:s2+$0xA000] =	vst.msk vm0, v20  }
0xac: {  	[tilespmem:s2+$0xA080] =	vst.msk vm0, v19  }
0xad: {  	v19 =	vld [tilespmem:s7+$0x4F00];
	_ =	sdelay $0x4  }
0xae: {  	[tilespmem:s2+$0xA100] =	vst.msk vm0, v19  }
0xaf: {  	v19 =	vld [tilespmem:$0xA100];
	_ =	sdelay $0x4  }
0xb0: {  	v19 =	vsub.f32 $0.0e+00, v19;
	_ =	sdelay $0x1  }
0xb1: {  	v19 =	vmul.f32 $1.442695020e+00, v19;
	_ =	sdelay $0x1  }
0xb2: {  	(erf) = vpow2.f32 v19;
	_ =	sdelay $0x3  }
0xb3: {  	v19 =	vld [tilespmem:$0xA110];
	_ =	sdelay $0x4  }
0xb4: {  	v19 =	vsub.f32 $0.0e+00, v19;
	v20 =	vpop (erf)  }
0xb5: {  	v20 =	vadd.f32 $1.000000000e+00, v20  }
0xb6: {  	v19 =	vmul.f32 $1.442695020e+00, v19  }
0xb7: {  	(erf) = vrcp.f32 v20  }
0xb8: {  	(erf) = vpow2.f32 v19;
	_ =	sdelay $0x3  }
0xb9: {  	v19 =	vld [tilespmem:$0xA120];
	_ =	sdelay $0x3  }
0xba: {  	v20 =	vpop (erf)  }
0xbb: {  	v19 =	vsub.f32 $0.0e+00, v19;
	v21 =	vpop (erf)  }
0xbc: {  	v21 =	vadd.f32 $1.000000000e+00, v21  }
0xbd: {  	v19 =	vmul.f32 $1.442695020e+00, v19  }
0xbe: {  	(erf) = vrcp.f32 v21  }
0xbf: {  	(erf) = vpow2.f32 v19;
	_ =	sdelay $0x3  }
0xc0: {  	v19 =	vld [tilespmem:$0xA130];
	_ =	sdelay $0x3  }
0xc1: {  	v21 =	vpop (erf)  }
0xc2: {  	v19 =	vsub.f32 $0.0e+00, v19;
	v22 =	vpop (erf)  }
0xc3: {  	v22 =	vadd.f32 $1.000000000e+00, v22  }
0xc4: {  	v19 =	vmul.f32 $1.442695020e+00, v19  }
0xc5: {  	(erf) = vrcp.f32 v22  }
0xc6: {  	(erf) = vpow2.f32 v19;
	_ =	sdelay $0x3  }
0xc7: {  	v19 =	vld [tilespmem:$0xA140];
	_ =	sdelay $0x3  }
0xc8: {  	v22 =	vpop (erf)  }
0xc9: {  	v19 =	vsub.f32 $0.0e+00, v19;
	v23 =	vpop (erf)  }
0xca: {  	v23 =	vadd.f32 $1.000000000e+00, v23  }
0xcb: {  	v19 =	vmul.f32 $1.442695020e+00, v19  }
0xcc: {  	(erf) = vrcp.f32 v23  }
0xcd: {  	(erf) = vpow2.f32 v19;
	_ =	sdelay $0x3  }
0xce: {  	v19 =	vld [tilespmem:$0xA150];
	_ =	sdelay $0x3  }
0xcf: {  	v23 =	vpop (erf)  }
0xd0: {  	v19 =	vsub.f32 $0.0e+00, v19;
	v24 =	vpop (erf)  }
0xd1: {  	v24 =	vadd.f32 $1.000000000e+00, v24  }
0xd2: {  	v19 =	vmul.f32 $1.442695020e+00, v19  }
0xd3: {  	(erf) = vrcp.f32 v24  }
0xd4: {  	(erf) = vpow2.f32 v19;
	_ =	sdelay $0x3  }
0xd5: {  	v19 =	vld [tilespmem:$0xA160];
	_ =	sdelay $0x3  }
0xd6: {  	v24 =	vpop (erf)  }
0xd7: {  	v19 =	vsub.f32 $0.0e+00, v19;
	v25 =	vpop (erf)  }
0xd8: {  	v25 =	vadd.f32 $1.000000000e+00, v25  }
0xd9: {  	v19 =	vmul.f32 $1.442695020e+00, v19  }
0xda: {  	(erf) = vrcp.f32 v25  }
0xdb: {  	(erf) = vpow2.f32 v19;
	_ =	sdelay $0x3  }
0xdc: {  	v19 =	vld [tilespmem:$0xA170];
	_ =	sdelay $0x3  }
0xdd: {  	v25 =	vpop (erf)  }
0xde: {  	v19 =	vsub.f32 $0.0e+00, v19;
	v26 =	vpop (erf)  }
0xdf: {  	v26 =	vadd.f32 $1.000000000e+00, v26  }
0xe0: {  	v19 =	vmul.f32 $1.442695020e+00, v19  }
0xe1: {  	v51 =	vsel vm0, $0x1, v18;
	(erf) = vrcp.f32 v26  }
0xe2: {  	(xrf0) =	vadd.scan.msk.s32 $0xffff, v51;
	(erf) = vpow2.f32 v19;
	_ =	sdelay $0x2  }
0xe3: {  	[tilespmem:$0xA100] =	vst v20;
	v20 =	vld [tilespmem:$0xA020]  }
0xe4: {  	v19 =	vld [tilespmem:$0xA000]  }
0xe5: {  	v52 =	vld [tilespmem:$0xA010]  }
0xe6: {  	v27, _, _ =	vpop (xrf0);
	v53 =	vld [tilespmem:$0xA030]  }
0xe7: {  	(v2sf) =	vpush v27, $0xF;
	v54 =	vld [tilespmem:$0xA040]  }
0xe8: {  	v55 =	vld [tilespmem:$0xA070];
	[tilespmem:$0xF480] =	vst v20;
	v28 =	vpop (erf)  }
0xe9: {  	v20 =	vld [tilespmem:$0xA060];
	[tilespmem:$0xF380] =	vst v19;
	v19 =	vpop (erf)  }
0xea: {  	[tilespmem:$0xF400] =	vst v52;
	v19 =	vadd.f32 $1.000000000e+00, v19  }
0xeb: {  	[tilespmem:$0xF500] =	vst v53  }
0xec: {  	[tilespmem:$0xF580] =	vst v54;
	(erf) = vrcp.f32 v19  }
0xed: {  	[tilespmem:$0xF700] =	vst v55  }
0xee: {  	[tilespmem:$0xF680] =	vst v20  }
0xef: {  	[tilespmem:$0xA110] =	vst v21  }
0xf0: {  	[tilespmem:$0xA120] =	vst v22;
	v19 =	vld [tilespmem:$0xA050]  }
0xf1: {  	[tilespmem:$0xA130] =	vst v23  }
0xf2: {  	[tilespmem:$0xA140] =	vst v24  }
0xf3: {  	[tilespmem:$0xA150] =	vst v25  }
0xf4: {  	[tilespmem:$0xA160] =	vst v28  }
0xf5: {  	[tilespmem:$0xF600] =	vst v19;
	v19 =	vpop (erf)  }
0xf6: {  	s7 =	spop (v2sf);
	[tilespmem:$0xA170] =	vst v19  }
0xf7: {  	_ =	strace $0x8000004D  }
0xf8: {  	[bflag:$0x0] =	sbarrier.arrive $0xFFFF  }
0xf9: {  	_ =	strace $0x9000004D  }
0xfa: {  	s2 =	simm.s32 $0xF380;
	_ =	strace $0x8000004E  }
0xfb: {  	[tilespmem:s25], [sflag:$0x1] =	stream.indirect.gather [hbm4b:s1+s23], $0x80, s2, s23, $0x2000b8;
	[tilespmem:$0x11F80] =	vst v63  }
0xfc: {  	s3 =	simm.s32 $0xF400;
	s7 =	simm.s32 $0xA980  }
0xfd: {  	[tilespmem:s7], [sflag:$0x1] =	stream.indirect.gather [hbm4b:s1+s23], $0x80, s3, s23, $0x2000b8;
	[tilespmem:$0x11F80] =	vst v63  }
0xfe: {  	s3 =	simm.s32 $0xF480;
	s7 =	simm.s32 $0xB180  }
0xff: {  	[tilespmem:s7], [sflag:$0x1] =	stream.indirect.gather [hbm4b:s1+s23], $0x80, s3, s23, $0x2000b8;
	[tilespmem:$0x11F80] =	vst v63  }
0x100: {  	s3 =	simm.s32 $0xF500;
	s7 =	simm.s32 $0xB980  }
0x101: {  	[tilespmem:s7], [sflag:$0x1] =	stream.indirect.gather [hbm4b:s1+s23], $0x80, s3, s23, $0x2000b8;
	[tilespmem:$0x11F80] =	vst v63  }
0x102: {  	s3 =	simm.s32 $0xF580;
	s7 =	simm.s32 $0xC180  }
0x103: {  	[tilespmem:s7], [sflag:$0x1] =	stream.indirect.gather [hbm4b:s1+s23], $0x80, s3, s23, $0x2000b8;
	[tilespmem:$0x11F80] =	vst v63  }
0x104: {  	_ = 	snop  }
0x105: {  	[tilespmem:s16], [sflag:$0x1] =	stream.indirect.gather [hbm4b:s1+s23], $0x80, s4, s23, $0x2000b8;
	[tilespmem:$0x11F80] =	vst v63  }
0x106: {  	_ = 	snop  }
0x107: {  	[tilespmem:s18], [sflag:$0x1] =	stream.indirect.gather [hbm4b:s1+s23], $0x80, s17, s23, $0x2000b8;
	[tilespmem:$0x11F80] =	vst v63  }
0x108: {  	_ = 	snop  }
0x109: {  	[tilespmem:s26], [sflag:$0x1] =	stream.indirect.gather [hbm4b:s1+s23], $0x80, s24, s23, $0x2000b8;
	[tilespmem:$0x11F80] =	vst v63  }
0x10a: {  	_ =	swait.ge [sflag:s21], $0x800  }
0x10b: {  	[sflag:s21] =	ssyncset.done $0x0  }
0x10c: {  	[sflag:s21] =	ssyncadd.s32 $0xFFFFF800  }
0x10d: {  	_ =	swait.ge [sflag:s21], $0x800  }
0x10e: {  	[sflag:s21] =	ssyncset.done $0x0  }
0x10f: {  	[sflag:s21] =	ssyncadd.s32 $0xFFFFF800  }
0x110: {  	_ =	swait.ge [sflag:s21], $0x800  }
0x111: {  	[sflag:s21] =	ssyncset.done $0x0  }
0x112: {  	[sflag:s21] =	ssyncadd.s32 $0xFFFFF800  }
0x113: {  	_ =	swait.ge [sflag:s21], $0x800  }
0x114: {  	[sflag:s21] =	ssyncset.done $0x0  }
0x115: {  	[sflag:s21] =	ssyncadd.s32 $0xFFFFF800  }
0x116: {  	_ =	swait.ge [sflag:s21], $0x800  }
0x117: {  	[sflag:s21] =	ssyncset.done $0x0  }
0x118: {  	[sflag:s21] =	ssyncadd.s32 $0xFFFFF800  }
0x119: {  	_ =	swait.ge [sflag:s21], $0x800  }
0x11a: {  	[sflag:s21] =	ssyncset.done $0x0  }
0x11b: {  	[sflag:s21] =	ssyncadd.s32 $0xFFFFF800  }
0x11c: {  	_ =	swait.ge [sflag:s21], $0x800  }
0x11d: {  	[sflag:s21] =	ssyncset.done $0x0  }
0x11e: {  	[sflag:s21] =	ssyncadd.s32 $0xFFFFF800  }
0x11f: {  	_ =	swait.ge [sflag:s21], $0x800  }
0x120: {  	[sflag:s21] =	ssyncset.done $0x0  }
0x121: {  	[sflag:s21] =	ssyncadd.s32 $0xFFFFF800  }
0x122: {  	_ =	strace $0x9000004E  }
0x123: {  	_ =	strace $0x8000004F  }
0x124: {  	s3 =	rddreg [dreg:$0x3]  }
0x125: {  	[spmem:s3] =	stream.indirect.scatter.add.f32 [tilespmem:s25], [sflag:$0x2], $0x80, s29, s28, $0x2000b8;
	[tilespmem:$0x11F80] =	vst v63  }
0x126: {  	_ =	swait.ge [sflag:s20], $0x4000  }
0x127: {  	[sflag:s20] =	ssyncset.done $0x0  }
0x128: {  	[sflag:s20] =	ssyncadd.s32 $0xFFFFC000  }
0x129: {  	s2 =	simm.s32 $0x0;
	_ =	strace $0x9000004F  }
0x12a: {  	s7 =	sand.u32 $0x70, s2;
	_ =	strace $0x80000050  }
0x12b: {  	v19 =	vld [tilespmem:s7+$0xA100];
	_ =	sdelay $0x1  }
0x12c: {  	s2 =	sand.u32 $0xF, s2  }
0x12d: {  	v20 =	vmov s2  }
0x12e: {  	vm15 =	veq.s32 v20, v0  }
0x12f: {  	v19 =	vnsel vm15, $0x0, v19  }
0x130: {  	(xrf2) =	vadd.scan.msk.f32 $0xffff, v19;
	_ =	sdelay $0x6  }
0x131: {  	s31 =	simm.s32 $0xA1C0  }
0x132: {  	v19 =	vld [tilespmem:s31+$0xFFFFFFC0]  }
0x133: {  	v20 =	vld [tilespmem:s31+$0xFFFFFFD0]  }
0x134: {  	v56 =	vld [tilespmem:s31+$0xFFFFFFE0];
	v57, _, _ =	vpop (xrf2)  }
0x135: {  	v60 =	vld [tilespmem:s31+$0x10];
	v22 =	vbroadcast v57, $0xF  }
0x136: {  	v58 =	vld [tilespmem:s31+$0xFFFFFFF0]  }
0x137: {  	v59 =	vld [tilespmem:s31+$0x0];
	v19 =	vmul.f32 v22, v19  }
0x138: {  	v61 =	vld [tilespmem:s31+$0x20];
	v20 =	vmul.f32 v22, v20  }
0x139: {  	v62 =	vld [tilespmem:s31+$0x30];
	v21 =	vmul.f32 v56, v22;
	[tilespmem:s31+$0xFFFFFFC0] =	vst v19  }
0x13a: {  	v63 =	vmul.f32 v60, v22;
	[tilespmem:s31+$0xFFFFFFD0] =	vst v20  }
0x13b: {  	v19 =	vmul.f32 v58, v22;
	[tilespmem:s31+$0xFFFFFFE0] =	vst v21  }
0x13c: {  	v20 =	vmul.f32 v59, v22;
	[tilespmem:s31+$0x10] =	vst v63  }
0x13d: {  	[tilespmem:s31+$0xFFFFFFF0] =	vst v19;
	v19 =	vmul.f32 v61, v22  }
0x13e: {  	[tilespmem:s31+$0x0] =	vst v20;
	v20 =	vmul.f32 v62, v22  }
0x13f: {  	s2 =	simm.s32 $0x1;
	[tilespmem:s31+$0x20] =	vst v19  }
0x140: {  	s3 =	sand.u32 $0x70, s2;
	s7 =	simm.s32 $0x2;
	[tilespmem:s31+$0x30] =	vst v20  }
.LBB2_10:
0x141: {  	p1 =	sne.s32 s7, $0x7F;
	v19 =	vld [tilespmem:s3+$0xA100];
	_ =	sdelay $0x1  }
0x142: {  	s3 =	sand.u32 $0xF, s2;
	s2 =	smov.u32 s7  }
0x143: {  	v20 =	vmov s3  }
0x144: {  	vm0 =	veq.s32 v20, v0  }
0x145: {  	v19 =	vnsel vm0, $0x0, v19  }
0x146: {  	(xrf2) =	vadd.scan.msk.f32 $0xffff, v19;
	_ =	sdelay $0x2  }
0x147: {  	s31 =	sadd.s32 $0x80, s31  }
0x148: {  	v19 =	vld [tilespmem:s31+$0xFFFFFFF0]  }
0x149: {  	v20 =	vld [tilespmem:s31+$0x30]  }
0x14a: {  	v21 =	vld [tilespmem:s31+$0x10]  }
0x14b: {  	v22 =	vld [tilespmem:s31+$0xFFFFFFD0]  }
0x14c: {  	v23 =	vld [tilespmem:s31+$0xFFFFFFC0]  }
0x14d: {  	v24 =	vld [tilespmem:s31+$0xFFFFFFE0]  }
0x14e: {  	v25 =	vld [tilespmem:s31+$0x0];
	v26, _, _ =	vpop (xrf2)  }
0x14f: {  	v26 =	vbroadcast v26, $0xF;
	v27 =	vld [tilespmem:s31+$0x20];
	_ =	sdelay $0x1  }
0x150: {  	v23 =	vmul.f32 v26, v23;
	v22 =	vmul.f32 v26, v22  }
0x151: {  	v19 =	vmul.f32 v19, v26;
	v24 =	vmul.f32 v24, v26  }
0x152: {  	v21 =	vmul.f32 v21, v26;
	[tilespmem:s31+$0xFFFFFFC0] =	vst v23;
	v23 =	vmul.f32 v25, v26  }
0x153: {  	v20 =	vmul.f32 v20, v26;
	[tilespmem:s31+$0xFFFFFFD0] =	vst v22;
	v22 =	vmul.f32 v27, v26  }
0x154: {  	[tilespmem:s31+$0xFFFFFFE0] =	vst v24  }
.Ltmp6:
0x155: {  	[tilespmem:s31+$0xFFFFFFF0] =	vst v19;
	(pc) =	sbr.rel @p1 .LBB2_10-.Ltmp6, $4  }
0x156: {  	[tilespmem:s31+$0x0] =	vst v23  }
0x157: {  	[tilespmem:s31+$0x10] =	vst v21  }
0x158: {  	[tilespmem:s31+$0x20] =	vst v22  }
0x159: {  	s7 =	sadd.s32 $0x1, s7;
	s3 =	sand.u32 $0x70, s2;
	[tilespmem:s31+$0x30] =	vst v20  }
0x15a: {  	v19 =	vld [tilespmem:s3+$0xA100];
	_ =	sdelay $0x1  }
0x15b: {  	s2 =	sand.u32 $0xF, s2  }
0x15c: {  	v20 =	vmov s2  }
0x15d: {  	vm0 =	veq.s32 v20, v0  }
0x15e: {  	v19 =	vnsel vm0, $0x0, v19  }
0x15f: {  	(xrf2) =	vadd.scan.msk.f32 $0xffff, v19;
	_ =	sdelay $0x6  }
0x160: {  	s7 =	sadd.s32 $0x80, s31  }
0x161: {  	v19 =	vld [tilespmem:s7+$0xFFFFFFC0]  }
0x162: {  	v20 =	vld [tilespmem:s7+$0xFFFFFFD0]  }
0x163: {  	v21 =	vld [tilespmem:s7+$0xFFFFFFE0];
	v22, _, _ =	vpop (xrf2)  }
0x164: {  	v25 =	vld [tilespmem:s7+$0x10];
	v22 =	vbroadcast v22, $0xF  }
0x165: {  	v23 =	vld [tilespmem:s7+$0xFFFFFFF0]  }
0x166: {  	v24 =	vld [tilespmem:s7+$0x0];
	v19 =	vmul.f32 v22, v19  }
0x167: {  	v26 =	vld [tilespmem:s7+$0x20];
	v20 =	vmul.f32 v22, v20  }
0x168: {  	v27 =	vld [tilespmem:s7+$0x30];
	v21 =	vmul.f32 v21, v22;
	[tilespmem:s7+$0xFFFFFFC0] =	vst v19  }
0x169: {  	v63 =	vmul.f32 v25, v22;
	[tilespmem:s7+$0xFFFFFFD0] =	vst v20  }
0x16a: {  	v19 =	vmul.f32 v23, v22;
	[tilespmem:s7+$0xFFFFFFE0] =	vst v21  }
0x16b: {  	v20 =	vmul.f32 v24, v22;
	[tilespmem:s7+$0x10] =	vst v63  }
0x16c: {  	[tilespmem:s7+$0xFFFFFFF0] =	vst v19;
	v19 =	vmul.f32 v26, v22  }
0x16d: {  	[tilespmem:s7+$0x0] =	vst v20;
	v20 =	vmul.f32 v27, v22  }
0x16e: {  	[tilespmem:s7+$0x20] =	vst v19  }
0x16f: {  	[tilespmem:s7+$0x30] =	vst v20  }
0x170: {  	_ =	strace $0x90000050  }
0x171: {  	_ =	strace $0x80000051  }
0x172: {  	s31 =	rddreg [dreg:$0x4]  }
0x173: {  	[spmem:s31] =	stream.indirect.scatter.add.f32 [tilespmem:s25], [sflag:$0x2], $0x80, s29, s28, $0x2000b8;
	[tilespmem:$0x11F80] =	vst v63  }
0x174: {  	_ =	swait.ge [sflag:s20], $0x4000  }
0x175: {  	[sflag:s20] =	ssyncset.done $0x0  }
0x176: {  	[sflag:s20] =	ssyncadd.s32 $0xFFFFC000  }
0x177: {  	_ =	strace $0x90000051  }
0x178: {  	_ =	strace $0x80000052  }
0x179: {  	[bflag:$0x0] =	sbarrier.arrive $0xFFFF  }
0x17a: {  	s3 =	sshll.u32 s0, $0x6;
	_ =	strace $0x90000052  }
0x17b: {  	s2 =	sor.u32 $0x1C02, s3;
	s7 =	sshrl.u32 s11, $0x3;
	_ =	strace $0x80000053  }
0x17c: {  	[hbm:s13], [sflag:s2] =	dma.local [spmem:s7], $0x200  }
0x17d: {  	_ =	swait.ge [sflag:s20], $0x200  }
0x17e: {  	[sflag:s20] =	ssyncset.done $0x0  }
0x17f: {  	s31 =	sshrl.u32 s12, $0x3;
	[sflag:s20] =	ssyncadd.s32 $0xFFFFFE00  }
0x180: {  	[hbm:s14], [sflag:s2] =	dma.local [spmem:s31], $0x200  }
.Ltmp7:
0x181: {  	_ = 	snop;
	(pc) =	sbr.rel @p0 .LBB2_15-.Ltmp7, $4  }
0x182: {  	_ =	swait.ge [sflag:s20], $0x200  }
0x183: {  	[sflag:s20] =	ssyncset.done $0x0  }
0x184: {  	[sflag:s20] =	ssyncadd.s32 $0xFFFFFE00  }
0x185: {  	_ =	strace $0x90000053  }
0x186: {  	s7 =	simm.s32 $0x0  }
0x187: {  	v20 =	vld [tilespmem:s7+$0x9E00];
	_ =	sdelay $0x4  }
0x188: {  	vm0 =	vgt.s32 v20, $0x0  }
0x189: {  	s2 =	simm.s32 $0x10;
	v21 =	vnsel vm0, $0x0, v20  }
0x18a: {  	v19 =	vld [tilespmem:s2+$0x9E00];
	_ =	sdelay $0x3  }
0x18b: {  	v22 =	vld.idx.msk [tilespmem:v21+s22+$0x0], $0xffff  }
0x18c: {  	vm15 =	vgt.s32 v19, $0x0  }
0x18d: {  	v21 =	vnsel vm15, $0x0, v19  }
0x18e: {  	s31 =	simm.s32 $0x20;
	s3 =	simm.s32 $0xC0  }
.LBB2_13:
0x18f: {  	p1 =	sne.s32 s3, $0x7C0;
	v23 =	vshra.s32 v20, $0x1F;
	v20 =	vmov v19;
	v19 =	vld [tilespmem:s31+$0x9E00]  }
0x190: {  	v22 =	vor.u32 v22, v23  }
0x191: {  	[tilespmem:s7+$0xF180] =	vst v22;
	s7 =	smov.u32 s2;
	s2 =	smov.u32 s31  }
.Ltmp8:
0x192: {  	v22 =	vld.idx.msk [tilespmem:v21+s22+$0x0], $0xffff;
	(pc) =	sbr.rel @p1 .LBB2_13-.Ltmp8, $4  }
0x193: {  	_ = 	snop  }
0x194: {  	vm0 =	vgt.s32 v19, $0x0  }
0x195: {  	v21 =	vnsel vm0, $0x0, v19  }
0x196: {  	s31 =	sshra.s32 s3, $0x2;
	s3 =	sadd.s32 $0x40, s3  }
.Ltmp9:
0x197: {  	_ = 	snop;
	(pc) =	sbr.rel .LBB2_14-.Ltmp9, $1  }
0x198: {  	_ =	sdelay $0x3  }
.LBB2_16:
0x199: {  	_ =	sfence.sel $0x180000  }
0x19a: {  	[bflag:$0x0] =	sbarrier.arrive $0xFFFF  }
0x19b: {  	_ =	strace $0x9000004A  }
0x19c: {  	[bflag:$0x2] =	sbarrier.arrive $0xFFFF  }
0x19d: {  	p0 =	sne.s32 s0, $0x0;
	s0 =	rddreg [dreg:$0x5]  }
0x19e: {  	s0 =	sadd.s32 @!p0 $0x100000, s0  }
0x19f: {  	[sflag:s0] =	ssyncadd.tile.s32 @!p0 $0x1;
	_ =	shalt  }
.Lfunc_end2:
_tile_overlayer_lowered:
.L_overlay_start_2:
0x1a0: {  	(tag) =	ssettag $0x2  }
0x1a1: {  	s0 =	rddreg [dreg:$0x0];
	s2 =	stileid.u32  }
0x1a2: {  	s1 =	rddreg [dreg:$0x1];
	p0 =	sne.s32 s2, $0x0  }
0x1a3: {  	s3 =	rddreg [dreg:$0x2];
	[bflag:$0x3] =	sbarrier.arrive $0xFFFF;
	s2 =	simm.s32 @!p0 $0x1C02  }
0x1a4: {  	[timem:s3], [sflag:s2] =	dma.local @!p0 [hbm:s0], s1  }
0x1a5: {  	s0 =	simm.s32 @!p0 $0x2  }
0x1a6: {  	_ =	swait.ge @!p0 [sflag:s0], s1  }
0x1a7: {  	s1 =	ssub.s32 @!p0 $0x0, s1;
	[sflag:s0] =	ssyncset.done @!p0 $0x0  }
0x1a8: {  	[sflag:s0] =	ssyncadd.s32 @!p0 s1  }
0x1a9: {  	[bflag:$0x3] =	sbarrier.arrive $0xFFFF  }
0x1aa: {  	_ =	shalt  }

</sc_bundles>
